<compile_context>
chip_gen: v7x
topology: tpu7x:2x2x1
jax: 0.10.2.dev20260603
libtpu: 0.0.44.dev20260713+nightly
codegen_flags: <defaults>
</compile_context>

<pallas_src>
import jax
import jax.numpy as jnp
from jax import lax
from jax.experimental import pallas as pl
from jax.experimental.pallas import tpu as pltpu
from jax.experimental.pallas import tpu_sc as plsc

N_NODES = 10000
D_IN = 128
DEG_W = 16
N_EDGES = 320000

NC = 2
NS = 16
NW = NC * NS
EDGES_PER_TILE = N_EDGES // NW
CHUNK = 125
NSTEPS = EDGES_PER_TILE // CHUNK
NH = NSTEPS // 2
H1 = 64
H2 = CHUNK - H1


def _sc_body(x_hbm, src_hbm, dst_hbm, zf_hbm, zd_hbm, ones_hbm,
             agg_hbm, deg_hbm,
             sa, da, sb, db, buf_a, buf_b, ones_v, acc_sh, deg_sh,
             sem_ia, sem_ib, sem_g1, sem_g2, sem_h1, sem_h2,
             sem_s1, sem_s2, sem_s3):
    c = lax.axis_index("c")
    s = lax.axis_index("s")

    def gissue(r, buf, s1, s2):
        pltpu.async_copy(x_hbm.at[r.at[pl.ds(0, 48)]], buf.at[pl.ds(0, 48)], s1)
        pltpu.async_copy(x_hbm.at[r.at[pl.ds(48, 48)]], buf.at[pl.ds(48, 48)], s2)
        pltpu.async_copy(x_hbm.at[r.at[pl.ds(96, 29)]], buf.at[pl.ds(96, 29)], s1)

    def gwait(r, buf, s1, s2):
        pltpu.make_async_copy(
            x_hbm.at[r.at[pl.ds(0, 48)]], buf.at[pl.ds(0, 48)], s1).wait()
        pltpu.make_async_copy(
            x_hbm.at[r.at[pl.ds(48, 48)]], buf.at[pl.ds(48, 48)], s2).wait()
        pltpu.make_async_copy(
            x_hbm.at[r.at[pl.ds(96, 29)]], buf.at[pl.ds(96, 29)], s1).wait()

    def iissue(e, sr, dr, sem):
        pltpu.async_copy(src_hbm.at[c, s, e], sr, sem)
        pltpu.async_copy(dst_hbm.at[c, s, e], dr, sem)

    def iwait(e, sr, dr, sem):
        pltpu.make_async_copy(src_hbm.at[c, s, e], sr, sem).wait()
        pltpu.make_async_copy(dst_hbm.at[c, s, e], dr, sem).wait()

    def scat(buf, dr):
        pltpu.async_copy(buf.at[pl.ds(0, H1)],
                         acc_sh.at[dr.at[pl.ds(0, H1)]], sem_s1, add=True)
        pltpu.async_copy(buf.at[pl.ds(H1, H2)],
                         acc_sh.at[dr.at[pl.ds(H1, H2)]], sem_s2, add=True)
        pltpu.async_copy(ones_v, deg_sh.at[dr], sem_s3, add=True)
        pltpu.make_async_copy(buf.at[pl.ds(0, H1)],
                              acc_sh.at[dr.at[pl.ds(0, H1)]], sem_s1).wait()
        pltpu.make_async_copy(buf.at[pl.ds(H1, H2)],
                              acc_sh.at[dr.at[pl.ds(H1, H2)]], sem_s2).wait()
        pltpu.make_async_copy(ones_v, deg_sh.at[dr], sem_s3).wait()

    @pl.when(s == 0)
    def _():
        pltpu.sync_copy(zf_hbm, acc_sh)

    @pl.when(s == 1)
    def _():
        pltpu.sync_copy(zd_hbm, deg_sh)

    pltpu.sync_copy(ones_hbm, ones_v)
    pltpu.sync_copy(src_hbm.at[c, s, 0], sa)
    pltpu.sync_copy(dst_hbm.at[c, s, 0], da)
    plsc.subcore_barrier()
    gissue(sa, buf_a, sem_g1, sem_g2)
    iissue(1, sb, db, sem_ib)

    def step(j, carry):
        iwait(2 * j + 1, sb, db, sem_ib)
        gissue(sb, buf_b, sem_h1, sem_h2)
        gwait(sa, buf_a, sem_g1, sem_g2)
        scat(buf_a, da)

        @pl.when(j < NH - 1)
        def _():
            iissue(2 * j + 2, sa, da, sem_ia)

        gwait(sb, buf_b, sem_h1, sem_h2)
        scat(buf_b, db)

        @pl.when(j < NH - 1)
        def _():
            iwait(2 * j + 2, sa, da, sem_ia)
            gissue(sa, buf_a, sem_g1, sem_g2)
            iissue(2 * j + 3, sb, db, sem_ib)

        return carry

    lax.fori_loop(0, NH, step, 0)
    plsc.subcore_barrier()

    @pl.when(s == 0)
    def _():
        pltpu.sync_copy(acc_sh, agg_hbm.at[c])

    @pl.when(s == 1)
    def _():
        pltpu.sync_copy(deg_sh, deg_hbm.at[c])


def _sc_aggregate(x, src4, dst4, zf, zd, ones):
    mesh = plsc.VectorSubcoreMesh(core_axis_name="c", subcore_axis_name="s")
    fn = pl.kernel(
        _sc_body,
        out_type=(
            jax.ShapeDtypeStruct((NC, N_NODES, D_IN), jnp.float32),
            jax.ShapeDtypeStruct((NC, N_NODES, DEG_W), jnp.float32),
        ),
        mesh=mesh,
        scratch_types=[
            pltpu.VMEM((CHUNK,), jnp.int32),
            pltpu.VMEM((CHUNK,), jnp.int32),
            pltpu.VMEM((CHUNK,), jnp.int32),
            pltpu.VMEM((CHUNK,), jnp.int32),
            pltpu.VMEM((CHUNK, D_IN), jnp.float32),
            pltpu.VMEM((CHUNK, D_IN), jnp.float32),
            pltpu.VMEM((CHUNK, DEG_W), jnp.float32),
            pltpu.VMEM_SHARED((N_NODES, D_IN), jnp.float32),
            pltpu.VMEM_SHARED((N_NODES, DEG_W), jnp.float32),
        ] + [pltpu.SemaphoreType.DMA] * 9,
        compiler_params=pltpu.CompilerParams(use_tc_tiling_on_sc=False),
    )
    return fn(x, src4, dst4, zf, zd, ones)


def _tc_body(x_ref, p_ref, d_ref, wlt_ref, wrt_ref, b_ref, o_ref):
    p = p_ref[...]
    d = d_ref[...]
    agg = p[0] + p[1]
    deg = d[0, :, 0:1] + d[1, :, 0:1]
    mean = agg / jnp.maximum(deg, 1.0)
    out = (jnp.dot(mean, wlt_ref[...], preferred_element_type=jnp.float32)
           + jnp.dot(x_ref[...], wrt_ref[...], preferred_element_type=jnp.float32)
           + b_ref[...])
    o_ref[...] = jnp.maximum(out, 0.0)


def _tc_combine(x, agg, deg, wlt, wrt, b2):
    blk = 1000
    grid = N_NODES // blk
    return pl.pallas_call(
        _tc_body,
        grid=(grid,),
        in_specs=[
            pl.BlockSpec((blk, D_IN), lambda i: (i, 0)),
            pl.BlockSpec((NC, blk, D_IN), lambda i: (0, i, 0)),
            pl.BlockSpec((NC, blk, DEG_W), lambda i: (0, i, 0)),
            pl.BlockSpec((D_IN, D_IN), lambda i: (0, 0)),
            pl.BlockSpec((D_IN, D_IN), lambda i: (0, 0)),
            pl.BlockSpec((1, D_IN), lambda i: (0, 0)),
        ],
        out_specs=pl.BlockSpec((blk, D_IN), lambda i: (i, 0)),
        out_shape=jax.ShapeDtypeStruct((N_NODES, D_IN), jnp.float32),
    )(x, agg, deg, wlt, wrt, b2)


@jax.jit
def kernel(x, edge_index, W_l, W_r, b):
    src4 = edge_index[0].astype(jnp.int32).reshape(NC, NS, NSTEPS, CHUNK)
    dst4 = edge_index[1].astype(jnp.int32).reshape(NC, NS, NSTEPS, CHUNK)
    zf = jnp.zeros((N_NODES, D_IN), jnp.float32)
    zd = jnp.zeros((N_NODES, DEG_W), jnp.float32)
    ones = jnp.ones((CHUNK, DEG_W), jnp.float32)
    agg, deg = _sc_aggregate(x, src4, dst4, zf, zd, ones)
    return _tc_combine(x, agg, deg, W_l.T, W_r.T, b[None, :])

# --- scband reference (transcript-rebuilt; emitter-appended) ---
"""Pipeline reference for scband-graph-sage-7550552506693 (READ-ONLY COPY).

The authoritative reference and input builder live on the scoring server;
editing this copy changes nothing except your own understanding.
"""

import jax, jax.numpy as jnp
import numpy as np

N_NODES = 10000
N_EDGES = 320000
D_IN = 128
D_HID = 128

def setup_inputs(seed: int = 0) -> dict:
    key = jax.random.key(seed)
    k1, k2, k3, k4, k5 = jax.random.split(key, 5)
    x = jax.random.normal(k1, (N_NODES, D_IN), dtype=jnp.float32)
    edge_index = jax.random.randint(k2, (2, N_EDGES), 0, N_NODES, dtype=jnp.int64)
    # SAGEConv params: lin_l applied to aggregated neighbors, lin_r applied to root (self)
    W_l = jax.random.normal(k3, (D_HID, D_IN), dtype=jnp.float32) * 0.05
    W_r = jax.random.normal(k4, (D_HID, D_IN), dtype=jnp.float32) * 0.05
    b = jax.random.normal(k5, (D_HID,), dtype=jnp.float32) * 0.05
    return {"x": x, "edge_index": edge_index, "W_l": W_l, "W_r": W_r, "b": b}

def reference(x, edge_index, W_l, W_r, b):
    # GraphSAGE layer with mean aggregation (PyG SAGEConv default), then ReLU
    src = edge_index[0]
    dst = edge_index[1]
    n = x.shape[0]
    # gather messages from source nodes
    msgs = jnp.take(x, src, axis=0)
    # scatter-add (segment sum) into destination nodes
    agg_sum = jax.ops.segment_sum(msgs, dst, num_segments=n)
    deg = jax.ops.segment_sum(jnp.ones((src.shape[0],), dtype=x.dtype), dst, num_segments=n)
    agg_mean = agg_sum / jnp.clip(deg, 1.0, None)[:, None]
    out = agg_mean @ W_l.T + x @ W_r.T + b
    return jax.nn.relu(out)

if __name__ == "__main__":
    import jax
    _d = setup_inputs()
    print(jax.jit(kernel)(*tuple(_d.values())))

</pallas_src>

<mosaic_0001>
#map = affine_map<(d0, d1) -> (0, 0)>
#map1 = affine_map<(d0, d1) -> (0, 0, 0, 0)>
#map2 = affine_map<(d0, d1) -> (0, 0, 0)>
module attributes {stable_mosaic.version = 14 : i64} {
  func.func @_sc_body(%arg0: i32, %arg1: i32, %arg2: memref<10000x128xf32, #tpu.memory_space<hbm>>, %arg3: memref<2x16x80x125xi32, #tpu.memory_space<hbm>>, %arg4: memref<2x16x80x125xi32, #tpu.memory_space<hbm>>, %arg5: memref<10000x128xf32, #tpu.memory_space<hbm>>, %arg6: memref<10000x16xf32, #tpu.memory_space<hbm>>, %arg7: memref<125x16xf32, #tpu.memory_space<hbm>>, %arg8: memref<2x10000x128xf32, #tpu.memory_space<hbm>>, %arg9: memref<2x10000x16xf32, #tpu.memory_space<hbm>>, %arg10: memref<125xi32, #tpu.memory_space<vmem>>, %arg11: memref<125xi32, #tpu.memory_space<vmem>>, %arg12: memref<125xi32, #tpu.memory_space<vmem>>, %arg13: memref<125xi32, #tpu.memory_space<vmem>>, %arg14: memref<125x128xf32, #tpu.memory_space<vmem>>, %arg15: memref<125x128xf32, #tpu.memory_space<vmem>>, %arg16: memref<125x16xf32, #tpu.memory_space<vmem>>, %arg17: memref<10000x128xf32, #tpu.memory_space<vmem_shared>>, %arg18: memref<10000x16xf32, #tpu.memory_space<vmem_shared>>, %arg19: memref<!tpu.dma_semaphore, #tpu.memory_space<semaphore_mem>>, %arg20: memref<!tpu.dma_semaphore, #tpu.memory_space<semaphore_mem>>, %arg21: memref<!tpu.dma_semaphore, #tpu.memory_space<semaphore_mem>>, %arg22: memref<!tpu.dma_semaphore, #tpu.memory_space<semaphore_mem>>, %arg23: memref<!tpu.dma_semaphore, #tpu.memory_space<semaphore_mem>>, %arg24: memref<!tpu.dma_semaphore, #tpu.memory_space<semaphore_mem>>, %arg25: memref<!tpu.dma_semaphore, #tpu.memory_space<semaphore_mem>>, %arg26: memref<!tpu.dma_semaphore, #tpu.memory_space<semaphore_mem>>, %arg27: memref<!tpu.dma_semaphore, #tpu.memory_space<semaphore_mem>>) attributes {dimension_semantics = [#tpu.dimension_semantics<core_parallel>, #tpu.dimension_semantics<subcore_parallel>], iteration_bounds = array<i64: 2, 16>, scalar_prefetch = 0 : i64, scratch_operands = 18 : i64, tpu.core_type = #tpu.core_type<sc_vector_subcore>, window_params = [{transform_indices = #map}, {transform_indices = #map1}, {transform_indices = #map1}, {transform_indices = #map}, {transform_indices = #map}, {transform_indices = #map}, {transform_indices = #map2}, {transform_indices = #map2}]} {
    %eq3A = arith.constant 0 : i32
    %eq3A_0 = arith.cmpi eq, %arg1, %eq3A : i32
    %convert_element_type3A = arith.extui %eq3A_0 : i1 to i32
    %cond3A = arith.constant 0 : i32
    %cond3A_1 = arith.cmpi ne, %convert_element_type3A, %cond3A : i32
    scf.if %cond3A_1 {
      "tpu.region"() ({
        %run_scoped3A_61 = tpu.sem_alloc : memref<!tpu.dma_semaphore, #tpu.memory_space<semaphore_mem>>
        tpu.enqueue_dma source(%arg5 : memref<10000x128xf32, #tpu.memory_space<hbm>>) target(%arg17 : memref<10000x128xf32, #tpu.memory_space<vmem_shared>>) target_semaphore(%run_scoped3A_61 : memref<!tpu.dma_semaphore, #tpu.memory_space<semaphore_mem>>)
        tpu.wait_dma2 semaphore(%run_scoped3A_61 : memref<!tpu.dma_semaphore, #tpu.memory_space<semaphore_mem>>) src(%arg5 : memref<10000x128xf32, #tpu.memory_space<hbm>>) dst(%arg17 : memref<10000x128xf32, #tpu.memory_space<vmem_shared>>)
        tpu.yield
      }) : () -> ()
    } else {
    }
    %eq3A_2 = arith.constant 1 : i32
    %eq3A_3 = arith.cmpi eq, %arg1, %eq3A_2 : i32
    %convert_element_type3A_4 = arith.extui %eq3A_3 : i1 to i32
    %cond3A_5 = arith.constant 0 : i32
    %cond3A_6 = arith.cmpi ne, %convert_element_type3A_4, %cond3A_5 : i32
    scf.if %cond3A_6 {
      "tpu.region"() ({
        %run_scoped3A_61 = tpu.sem_alloc : memref<!tpu.dma_semaphore, #tpu.memory_space<semaphore_mem>>
        tpu.enqueue_dma source(%arg6 : memref<10000x16xf32, #tpu.memory_space<hbm>>) target(%arg18 : memref<10000x16xf32, #tpu.memory_space<vmem_shared>>) target_semaphore(%run_scoped3A_61 : memref<!tpu.dma_semaphore, #tpu.memory_space<semaphore_mem>>)
        tpu.wait_dma2 semaphore(%run_scoped3A_61 : memref<!tpu.dma_semaphore, #tpu.memory_space<semaphore_mem>>) src(%arg6 : memref<10000x16xf32, #tpu.memory_space<hbm>>) dst(%arg18 : memref<10000x16xf32, #tpu.memory_space<vmem_shared>>)
        tpu.yield
      }) : () -> ()
    } else {
    }
    "tpu.region"() ({
      %run_scoped3A_61 = tpu.sem_alloc : memref<!tpu.dma_semaphore, #tpu.memory_space<semaphore_mem>>
      tpu.enqueue_dma source(%arg7 : memref<125x16xf32, #tpu.memory_space<hbm>>) target(%arg16 : memref<125x16xf32, #tpu.memory_space<vmem>>) target_semaphore(%run_scoped3A_61 : memref<!tpu.dma_semaphore, #tpu.memory_space<semaphore_mem>>)
      tpu.wait_dma2 semaphore(%run_scoped3A_61 : memref<!tpu.dma_semaphore, #tpu.memory_space<semaphore_mem>>) src(%arg7 : memref<125x16xf32, #tpu.memory_space<hbm>>) dst(%arg16 : memref<125x16xf32, #tpu.memory_space<vmem>>)
      tpu.yield
    }) : () -> ()
    %run_scoped3A = arith.constant 0 : i32
    "tpu.region"() ({
      %run_scoped3A_61 = tpu.sem_alloc : memref<!tpu.dma_semaphore, #tpu.memory_space<semaphore_mem>>
      %dma_start3A_62 = arith.constant 0 : i32
      %dma_start3A_63 = tpu.memref_slice %arg3[%arg0, %arg1, %run_scoped3A, %dma_start3A_62] : memref<2x16x80x125xi32, #tpu.memory_space<hbm>> -> memref<1x1x1x125xi32, #tpu.memory_space<hbm>>
      %dma_start3A_64 = tpu.memref_squeeze %dma_start3A_63 : memref<1x1x1x125xi32, #tpu.memory_space<hbm>> -> memref<125xi32, #tpu.memory_space<hbm>>
      %dma_start3A_65 = arith.constant 0 : i32
      %dma_start3A_66 = tpu.memref_slice %arg3[%arg0, %arg1, %run_scoped3A, %dma_start3A_65] : memref<2x16x80x125xi32, #tpu.memory_space<hbm>> -> memref<1x1x1x125xi32, #tpu.memory_space<hbm>>
      %dma_start3A_67 = tpu.memref_squeeze %dma_start3A_66 : memref<1x1x1x125xi32, #tpu.memory_space<hbm>> -> memref<125xi32, #tpu.memory_space<hbm>>
      tpu.enqueue_dma source(%dma_start3A_67 : memref<125xi32, #tpu.memory_space<hbm>>) target(%arg10 : memref<125xi32, #tpu.memory_space<vmem>>) target_semaphore(%run_scoped3A_61 : memref<!tpu.dma_semaphore, #tpu.memory_space<semaphore_mem>>)
      %dma_wait3A = arith.constant 0 : i32
      %dma_wait3A_68 = tpu.memref_slice %arg3[%arg0, %arg1, %run_scoped3A, %dma_wait3A] : memref<2x16x80x125xi32, #tpu.memory_space<hbm>> -> memref<1x1x1x125xi32, #tpu.memory_space<hbm>>
      %dma_wait3A_69 = tpu.memref_squeeze %dma_wait3A_68 : memref<1x1x1x125xi32, #tpu.memory_space<hbm>> -> memref<125xi32, #tpu.memory_space<hbm>>
      %dma_wait3A_70 = arith.constant 0 : i32
      %dma_wait3A_71 = tpu.memref_slice %arg3[%arg0, %arg1, %run_scoped3A, %dma_wait3A_70] : memref<2x16x80x125xi32, #tpu.memory_space<hbm>> -> memref<1x1x1x125xi32, #tpu.memory_space<hbm>>
      %dma_wait3A_72 = tpu.memref_squeeze %dma_wait3A_71 : memref<1x1x1x125xi32, #tpu.memory_space<hbm>> -> memref<125xi32, #tpu.memory_space<hbm>>
      tpu.wait_dma2 semaphore(%run_scoped3A_61 : memref<!tpu.dma_semaphore, #tpu.memory_space<semaphore_mem>>) src(%dma_wait3A_72 : memref<125xi32, #tpu.memory_space<hbm>>) dst(%arg10 : memref<125xi32, #tpu.memory_space<vmem>>)
      tpu.yield
    }) : () -> ()
    %run_scoped3A_7 = arith.constant 0 : i32
    "tpu.region"() ({
      %run_scoped3A_61 = tpu.sem_alloc : memref<!tpu.dma_semaphore, #tpu.memory_space<semaphore_mem>>
      %dma_start3A_62 = arith.constant 0 : i32
      %dma_start3A_63 = tpu.memref_slice %arg4[%arg0, %arg1, %run_scoped3A_7, %dma_start3A_62] : memref<2x16x80x125xi32, #tpu.memory_space<hbm>> -> memref<1x1x1x125xi32, #tpu.memory_space<hbm>>
      %dma_start3A_64 = tpu.memref_squeeze %dma_start3A_63 : memref<1x1x1x125xi32, #tpu.memory_space<hbm>> -> memref<125xi32, #tpu.memory_space<hbm>>
      %dma_start3A_65 = arith.constant 0 : i32
      %dma_start3A_66 = tpu.memref_slice %arg4[%arg0, %arg1, %run_scoped3A_7, %dma_start3A_65] : memref<2x16x80x125xi32, #tpu.memory_space<hbm>> -> memref<1x1x1x125xi32, #tpu.memory_space<hbm>>
      %dma_start3A_67 = tpu.memref_squeeze %dma_start3A_66 : memref<1x1x1x125xi32, #tpu.memory_space<hbm>> -> memref<125xi32, #tpu.memory_space<hbm>>
      tpu.enqueue_dma source(%dma_start3A_67 : memref<125xi32, #tpu.memory_space<hbm>>) target(%arg11 : memref<125xi32, #tpu.memory_space<vmem>>) target_semaphore(%run_scoped3A_61 : memref<!tpu.dma_semaphore, #tpu.memory_space<semaphore_mem>>)
      %dma_wait3A = arith.constant 0 : i32
      %dma_wait3A_68 = tpu.memref_slice %arg4[%arg0, %arg1, %run_scoped3A_7, %dma_wait3A] : memref<2x16x80x125xi32, #tpu.memory_space<hbm>> -> memref<1x1x1x125xi32, #tpu.memory_space<hbm>>
      %dma_wait3A_69 = tpu.memref_squeeze %dma_wait3A_68 : memref<1x1x1x125xi32, #tpu.memory_space<hbm>> -> memref<125xi32, #tpu.memory_space<hbm>>
      %dma_wait3A_70 = arith.constant 0 : i32
      %dma_wait3A_71 = tpu.memref_slice %arg4[%arg0, %arg1, %run_scoped3A_7, %dma_wait3A_70] : memref<2x16x80x125xi32, #tpu.memory_space<hbm>> -> memref<1x1x1x125xi32, #tpu.memory_space<hbm>>
      %dma_wait3A_72 = tpu.memref_squeeze %dma_wait3A_71 : memref<1x1x1x125xi32, #tpu.memory_space<hbm>> -> memref<125xi32, #tpu.memory_space<hbm>>
      tpu.wait_dma2 semaphore(%run_scoped3A_61 : memref<!tpu.dma_semaphore, #tpu.memory_space<semaphore_mem>>) src(%dma_wait3A_72 : memref<125xi32, #tpu.memory_space<hbm>>) dst(%arg11 : memref<125xi32, #tpu.memory_space<vmem>>)
      tpu.yield
    }) : () -> ()
    %barrier3A = arith.constant 0 : index
    tpu.barrier barrier_id(%barrier3A)
    %dma_start3A = arith.constant 0 : i32
    %dma_start3A_8 = arith.constant 0 : i32
    %dma_start3A_9 = tpu.memref_slice %arg14[%dma_start3A, %dma_start3A_8] : memref<125x128xf32, #tpu.memory_space<vmem>> -> memref<48x128xf32, #tpu.memory_space<vmem>>
    %dma_start3A_10 = arith.constant 0 : i32
    %dma_start3A_11 = tpu.memref_slice %arg10[%dma_start3A_10] : memref<125xi32, #tpu.memory_space<vmem>> -> memref<48xi32, #tpu.memory_space<vmem>>
    %dma_start3A_12 = arith.constant 0 : i32
    %dma_start3A_13 = arith.constant 0 : i32
    %dma_start3A_14 = tpu.memref_slice %arg2[%dma_start3A_12, %dma_start3A_13] : memref<10000x128xf32, #tpu.memory_space<hbm>> -> memref<10000x128xf32, #tpu.memory_space<hbm>>
    tpu.enqueue_indirect_dma source(%dma_start3A_14 : memref<10000x128xf32, #tpu.memory_space<hbm>>) target(%dma_start3A_9 : memref<48x128xf32, #tpu.memory_space<vmem>>) offsets(%dma_start3A_11 : memref<48xi32, #tpu.memory_space<vmem>>) semaphore(%arg21 : memref<!tpu.dma_semaphore, #tpu.memory_space<semaphore_mem>>)
    %dma_start3A_15 = arith.constant 48 : i32
    %dma_start3A_16 = arith.constant 0 : i32
    %dma_start3A_17 = tpu.memref_slice %arg14[%dma_start3A_15, %dma_start3A_16] : memref<125x128xf32, #tpu.memory_space<vmem>> -> memref<48x128xf32, #tpu.memory_space<vmem>>
    %dma_start3A_18 = arith.constant 48 : i32
    %dma_start3A_19 = tpu.memref_slice %arg10[%dma_start3A_18] : memref<125xi32, #tpu.memory_space<vmem>> -> memref<48xi32, #tpu.memory_space<vmem>>
    %dma_start3A_20 = arith.constant 0 : i32
    %dma_start3A_21 = arith.constant 0 : i32
    %dma_start3A_22 = tpu.memref_slice %arg2[%dma_start3A_20, %dma_start3A_21] : memref<10000x128xf32, #tpu.memory_space<hbm>> -> memref<10000x128xf32, #tpu.memory_space<hbm>>
    tpu.enqueue_indirect_dma source(%dma_start3A_22 : memref<10000x128xf32, #tpu.memory_space<hbm>>) target(%dma_start3A_17 : memref<48x128xf32, #tpu.memory_space<vmem>>) offsets(%dma_start3A_19 : memref<48xi32, #tpu.memory_space<vmem>>) semaphore(%arg22 : memref<!tpu.dma_semaphore, #tpu.memory_space<semaphore_mem>>)
    %dma_start3A_23 = arith.constant 96 : i32
    %dma_start3A_24 = arith.constant 0 : i32
    %dma_start3A_25 = tpu.memref_slice %arg14[%dma_start3A_23, %dma_start3A_24] : memref<125x128xf32, #tpu.memory_space<vmem>> -> memref<29x128xf32, #tpu.memory_space<vmem>>
    %dma_start3A_26 = arith.constant 96 : i32
    %dma_start3A_27 = tpu.memref_slice %arg10[%dma_start3A_26] : memref<125xi32, #tpu.memory_space<vmem>> -> memref<29xi32, #tpu.memory_space<vmem>>
    %dma_start3A_28 = arith.constant 0 : i32
    %dma_start3A_29 = arith.constant 0 : i32
    %dma_start3A_30 = tpu.memref_slice %arg2[%dma_start3A_28, %dma_start3A_29] : memref<10000x128xf32, #tpu.memory_space<hbm>> -> memref<10000x128xf32, #tpu.memory_space<hbm>>
    tpu.enqueue_indirect_dma source(%dma_start3A_30 : memref<10000x128xf32, #tpu.memory_space<hbm>>) target(%dma_start3A_25 : memref<29x128xf32, #tpu.memory_space<vmem>>) offsets(%dma_start3A_27 : memref<29xi32, #tpu.memory_space<vmem>>) semaphore(%arg21 : memref<!tpu.dma_semaphore, #tpu.memory_space<semaphore_mem>>)
    %dma_start3A_31 = arith.constant 1 : i32
    %dma_start3A_32 = arith.constant 0 : i32
    %dma_start3A_33 = tpu.memref_slice %arg3[%arg0, %arg1, %dma_start3A_31, %dma_start3A_32] : memref<2x16x80x125xi32, #tpu.memory_space<hbm>> -> memref<1x1x1x125xi32, #tpu.memory_space<hbm>>
    %dma_start3A_34 = tpu.memref_squeeze %dma_start3A_33 : memref<1x1x1x125xi32, #tpu.memory_space<hbm>> -> memref<125xi32, #tpu.memory_space<hbm>>
    %dma_start3A_35 = arith.constant 0 : i32
    %dma_start3A_36 = tpu.memref_slice %arg3[%arg0, %arg1, %dma_start3A_31, %dma_start3A_35] : memref<2x16x80x125xi32, #tpu.memory_space<hbm>> -> memref<1x1x1x125xi32, #tpu.memory_space<hbm>>
    %dma_start3A_37 = tpu.memref_squeeze %dma_start3A_36 : memref<1x1x1x125xi32, #tpu.memory_space<hbm>> -> memref<125xi32, #tpu.memory_space<hbm>>
    tpu.enqueue_dma source(%dma_start3A_37 : memref<125xi32, #tpu.memory_space<hbm>>) target(%arg12 : memref<125xi32, #tpu.memory_space<vmem>>) target_semaphore(%arg20 : memref<!tpu.dma_semaphore, #tpu.memory_space<semaphore_mem>>)
    %dma_start3A_38 = arith.constant 1 : i32
    %dma_start3A_39 = arith.constant 0 : i32
    %dma_start3A_40 = tpu.memref_slice %arg4[%arg0, %arg1, %dma_start3A_38, %dma_start3A_39] : memref<2x16x80x125xi32, #tpu.memory_space<hbm>> -> memref<1x1x1x125xi32, #tpu.memory_space<hbm>>
    %dma_start3A_41 = tpu.memref_squeeze %dma_start3A_40 : memref<1x1x1x125xi32, #tpu.memory_space<hbm>> -> memref<125xi32, #tpu.memory_space<hbm>>
    %dma_start3A_42 = arith.constant 0 : i32
    %dma_start3A_43 = tpu.memref_slice %arg4[%arg0, %arg1, %dma_start3A_38, %dma_start3A_42] : memref<2x16x80x125xi32, #tpu.memory_space<hbm>> -> memref<1x1x1x125xi32, #tpu.memory_space<hbm>>
    %dma_start3A_44 = tpu.memref_squeeze %dma_start3A_43 : memref<1x1x1x125xi32, #tpu.memory_space<hbm>> -> memref<125xi32, #tpu.memory_space<hbm>>
    tpu.enqueue_dma source(%dma_start3A_44 : memref<125xi32, #tpu.memory_space<hbm>>) target(%arg13 : memref<125xi32, #tpu.memory_space<vmem>>) target_semaphore(%arg20 : memref<!tpu.dma_semaphore, #tpu.memory_space<semaphore_mem>>)
    %scan3A = arith.constant 0 : i32
    %scan3A_45 = arith.constant 0 : i32
    %scan3A_46 = arith.constant 40 : i32
    %scan3A_47 = arith.addi %scan3A_45, %scan3A_46 : i32
    %scan3A_48 = arith.constant 1 : i32
    scf.for %scan3A_61 = %scan3A_45 to %scan3A_47 step %scan3A_48  : i32 {
      %mul3A = arith.constant 2 : i32
      %mul3A_62 = arith.muli %mul3A, %scan3A_61 : i32
      %add3A = arith.constant 1 : i32
      %add3A_63 = arith.addi %mul3A_62, %add3A : i32
      %dma_wait3A = arith.constant 0 : i32
      %dma_wait3A_64 = tpu.memref_slice %arg3[%arg0, %arg1, %add3A_63, %dma_wait3A] : memref<2x16x80x125xi32, #tpu.memory_space<hbm>> -> memref<1x1x1x125xi32, #tpu.memory_space<hbm>>
      %dma_wait3A_65 = tpu.memref_squeeze %dma_wait3A_64 : memref<1x1x1x125xi32, #tpu.memory_space<hbm>> -> memref<125xi32, #tpu.memory_space<hbm>>
      %dma_wait3A_66 = arith.constant 0 : i32
      %dma_wait3A_67 = tpu.memref_slice %arg3[%arg0, %arg1, %add3A_63, %dma_wait3A_66] : memref<2x16x80x125xi32, #tpu.memory_space<hbm>> -> memref<1x1x1x125xi32, #tpu.memory_space<hbm>>
      %dma_wait3A_68 = tpu.memref_squeeze %dma_wait3A_67 : memref<1x1x1x125xi32, #tpu.memory_space<hbm>> -> memref<125xi32, #tpu.memory_space<hbm>>
      tpu.wait_dma2 semaphore(%arg20 : memref<!tpu.dma_semaphore, #tpu.memory_space<semaphore_mem>>) src(%dma_wait3A_68 : memref<125xi32, #tpu.memory_space<hbm>>) dst(%arg12 : memref<125xi32, #tpu.memory_space<vmem>>)
      %dma_wait3A_69 = arith.constant 0 : i32
      %dma_wait3A_70 = tpu.memref_slice %arg4[%arg0, %arg1, %add3A_63, %dma_wait3A_69] : memref<2x16x80x125xi32, #tpu.memory_space<hbm>> -> memref<1x1x1x125xi32, #tpu.memory_space<hbm>>
      %dma_wait3A_71 = tpu.memref_squeeze %dma_wait3A_70 : memref<1x1x1x125xi32, #tpu.memory_space<hbm>> -> memref<125xi32, #tpu.memory_space<hbm>>
      %dma_wait3A_72 = arith.constant 0 : i32
      %dma_wait3A_73 = tpu.memref_slice %arg4[%arg0, %arg1, %add3A_63, %dma_wait3A_72] : memref<2x16x80x125xi32, #tpu.memory_space<hbm>> -> memref<1x1x1x125xi32, #tpu.memory_space<hbm>>
      %dma_wait3A_74 = tpu.memref_squeeze %dma_wait3A_73 : memref<1x1x1x125xi32, #tpu.memory_space<hbm>> -> memref<125xi32, #tpu.memory_space<hbm>>
      tpu.wait_dma2 semaphore(%arg20 : memref<!tpu.dma_semaphore, #tpu.memory_space<semaphore_mem>>) src(%dma_wait3A_74 : memref<125xi32, #tpu.memory_space<hbm>>) dst(%arg13 : memref<125xi32, #tpu.memory_space<vmem>>)
      %dma_start3A_75 = arith.constant 0 : i32
      %dma_start3A_76 = arith.constant 0 : i32
      %dma_start3A_77 = tpu.memref_slice %arg15[%dma_start3A_75, %dma_start3A_76] : memref<125x128xf32, #tpu.memory_space<vmem>> -> memref<48x128xf32, #tpu.memory_space<vmem>>
      %dma_start3A_78 = arith.constant 0 : i32
      %dma_start3A_79 = tpu.memref_slice %arg12[%dma_start3A_78] : memref<125xi32, #tpu.memory_space<vmem>> -> memref<48xi32, #tpu.memory_space<vmem>>
      %dma_start3A_80 = arith.constant 0 : i32
      %dma_start3A_81 = arith.constant 0 : i32
      %dma_start3A_82 = tpu.memref_slice %arg2[%dma_start3A_80, %dma_start3A_81] : memref<10000x128xf32, #tpu.memory_space<hbm>> -> memref<10000x128xf32, #tpu.memory_space<hbm>>
      tpu.enqueue_indirect_dma source(%dma_start3A_82 : memref<10000x128xf32, #tpu.memory_space<hbm>>) target(%dma_start3A_77 : memref<48x128xf32, #tpu.memory_space<vmem>>) offsets(%dma_start3A_79 : memref<48xi32, #tpu.memory_space<vmem>>) semaphore(%arg23 : memref<!tpu.dma_semaphore, #tpu.memory_space<semaphore_mem>>)
      %dma_start3A_83 = arith.constant 48 : i32
      %dma_start3A_84 = arith.constant 0 : i32
      %dma_start3A_85 = tpu.memref_slice %arg15[%dma_start3A_83, %dma_start3A_84] : memref<125x128xf32, #tpu.memory_space<vmem>> -> memref<48x128xf32, #tpu.memory_space<vmem>>
      %dma_start3A_86 = arith.constant 48 : i32
      %dma_start3A_87 = tpu.memref_slice %arg12[%dma_start3A_86] : memref<125xi32, #tpu.memory_space<vmem>> -> memref<48xi32, #tpu.memory_space<vmem>>
      %dma_start3A_88 = arith.constant 0 : i32
      %dma_start3A_89 = arith.constant 0 : i32
      %dma_start3A_90 = tpu.memref_slice %arg2[%dma_start3A_88, %dma_start3A_89] : memref<10000x128xf32, #tpu.memory_space<hbm>> -> memref<10000x128xf32, #tpu.memory_space<hbm>>
      tpu.enqueue_indirect_dma source(%dma_start3A_90 : memref<10000x128xf32, #tpu.memory_space<hbm>>) target(%dma_start3A_85 : memref<48x128xf32, #tpu.memory_space<vmem>>) offsets(%dma_start3A_87 : memref<48xi32, #tpu.memory_space<vmem>>) semaphore(%arg24 : memref<!tpu.dma_semaphore, #tpu.memory_space<semaphore_mem>>)
      %dma_start3A_91 = arith.constant 96 : i32
      %dma_start3A_92 = arith.constant 0 : i32
      %dma_start3A_93 = tpu.memref_slice %arg15[%dma_start3A_91, %dma_start3A_92] : memref<125x128xf32, #tpu.memory_space<vmem>> -> memref<29x128xf32, #tpu.memory_space<vmem>>
      %dma_start3A_94 = arith.constant 96 : i32
      %dma_start3A_95 = tpu.memref_slice %arg12[%dma_start3A_94] : memref<125xi32, #tpu.memory_space<vmem>> -> memref<29xi32, #tpu.memory_space<vmem>>
      %dma_start3A_96 = arith.constant 0 : i32
      %dma_start3A_97 = arith.constant 0 : i32
      %dma_start3A_98 = tpu.memref_slice %arg2[%dma_start3A_96, %dma_start3A_97] : memref<10000x128xf32, #tpu.memory_space<hbm>> -> memref<10000x128xf32, #tpu.memory_space<hbm>>
      tpu.enqueue_indirect_dma source(%dma_start3A_98 : memref<10000x128xf32, #tpu.memory_space<hbm>>) target(%dma_start3A_93 : memref<29x128xf32, #tpu.memory_space<vmem>>) offsets(%dma_start3A_95 : memref<29xi32, #tpu.memory_space<vmem>>) semaphore(%arg23 : memref<!tpu.dma_semaphore, #tpu.memory_space<semaphore_mem>>)
      %dma_wait3A_99 = arith.constant 0 : i32
      %dma_wait3A_100 = arith.constant 0 : i32
      %dma_wait3A_101 = tpu.memref_slice %arg14[%dma_wait3A_99, %dma_wait3A_100] : memref<125x128xf32, #tpu.memory_space<vmem>> -> memref<48x128xf32, #tpu.memory_space<vmem>>
      %dma_wait3A_102 = arith.constant 0 : i32
      %dma_wait3A_103 = tpu.memref_slice %arg10[%dma_wait3A_102] : memref<125xi32, #tpu.memory_space<vmem>> -> memref<48xi32, #tpu.memory_space<vmem>>
      %dma_wait3A_104 = arith.constant 0 : i32
      %dma_wait3A_105 = arith.constant 0 : i32
      %dma_wait3A_106 = tpu.memref_slice %arg2[%dma_wait3A_104, %dma_wait3A_105] : memref<10000x128xf32, #tpu.memory_space<hbm>> -> memref<10000x128xf32, #tpu.memory_space<hbm>>
      tpu.wait_indirect_dma semaphore(%arg21 : memref<!tpu.dma_semaphore, #tpu.memory_space<semaphore_mem>>) src(%dma_wait3A_106 : memref<10000x128xf32, #tpu.memory_space<hbm>>) dst(%dma_wait3A_101 : memref<48x128xf32, #tpu.memory_space<vmem>>)
      %dma_wait3A_107 = arith.constant 48 : i32
      %dma_wait3A_108 = arith.constant 0 : i32
      %dma_wait3A_109 = tpu.memref_slice %arg14[%dma_wait3A_107, %dma_wait3A_108] : memref<125x128xf32, #tpu.memory_space<vmem>> -> memref<48x128xf32, #tpu.memory_space<vmem>>
      %dma_wait3A_110 = arith.constant 48 : i32
      %dma_wait3A_111 = tpu.memref_slice %arg10[%dma_wait3A_110] : memref<125xi32, #tpu.memory_space<vmem>> -> memref<48xi32, #tpu.memory_space<vmem>>
      %dma_wait3A_112 = arith.constant 0 : i32
      %dma_wait3A_113 = arith.constant 0 : i32
      %dma_wait3A_114 = tpu.memref_slice %arg2[%dma_wait3A_112, %dma_wait3A_113] : memref<10000x128xf32, #tpu.memory_space<hbm>> -> memref<10000x128xf32, #tpu.memory_space<hbm>>
      tpu.wait_indirect_dma semaphore(%arg22 : memref<!tpu.dma_semaphore, #tpu.memory_space<semaphore_mem>>) src(%dma_wait3A_114 : memref<10000x128xf32, #tpu.memory_space<hbm>>) dst(%dma_wait3A_109 : memref<48x128xf32, #tpu.memory_space<vmem>>)
      %dma_wait3A_115 = arith.constant 96 : i32
      %dma_wait3A_116 = arith.constant 0 : i32
      %dma_wait3A_117 = tpu.memref_slice %arg14[%dma_wait3A_115, %dma_wait3A_116] : memref<125x128xf32, #tpu.memory_space<vmem>> -> memref<29x128xf32, #tpu.memory_space<vmem>>
      %dma_wait3A_118 = arith.constant 96 : i32
      %dma_wait3A_119 = tpu.memref_slice %arg10[%dma_wait3A_118] : memref<125xi32, #tpu.memory_space<vmem>> -> memref<29xi32, #tpu.memory_space<vmem>>
      %dma_wait3A_120 = arith.constant 0 : i32
      %dma_wait3A_121 = arith.constant 0 : i32
      %dma_wait3A_122 = tpu.memref_slice %arg2[%dma_wait3A_120, %dma_wait3A_121] : memref<10000x128xf32, #tpu.memory_space<hbm>> -> memref<10000x128xf32, #tpu.memory_space<hbm>>
      tpu.wait_indirect_dma semaphore(%arg21 : memref<!tpu.dma_semaphore, #tpu.memory_space<semaphore_mem>>) src(%dma_wait3A_122 : memref<10000x128xf32, #tpu.memory_space<hbm>>) dst(%dma_wait3A_117 : memref<29x128xf32, #tpu.memory_space<vmem>>)
      %dma_start3A_123 = arith.constant 0 : i32
      %dma_start3A_124 = arith.constant 0 : i32
      %dma_start3A_125 = tpu.memref_slice %arg14[%dma_start3A_123, %dma_start3A_124] : memref<125x128xf32, #tpu.memory_space<vmem>> -> memref<64x128xf32, #tpu.memory_space<vmem>>
      %dma_start3A_126 = arith.constant 0 : i32
      %dma_start3A_127 = tpu.memref_slice %arg11[%dma_start3A_126] : memref<125xi32, #tpu.memory_space<vmem>> -> memref<64xi32, #tpu.memory_space<vmem>>
      %dma_start3A_128 = arith.constant 0 : i32
      %dma_start3A_129 = arith.constant 0 : i32
      %dma_start3A_130 = tpu.memref_slice %arg17[%dma_start3A_128, %dma_start3A_129] : memref<10000x128xf32, #tpu.memory_space<vmem_shared>> -> memref<10000x128xf32, #tpu.memory_space<vmem_shared>>
      tpu.enqueue_indirect_dma source(%dma_start3A_125 : memref<64x128xf32, #tpu.memory_space<vmem>>) target(%dma_start3A_130 : memref<10000x128xf32, #tpu.memory_space<vmem_shared>>) offsets(%dma_start3A_127 : memref<64xi32, #tpu.memory_space<vmem>>) semaphore(%arg25 : memref<!tpu.dma_semaphore, #tpu.memory_space<semaphore_mem>>) {add = true}
      %dma_start3A_131 = arith.constant 64 : i32
      %dma_start3A_132 = arith.constant 0 : i32
      %dma_start3A_133 = tpu.memref_slice %arg14[%dma_start3A_131, %dma_start3A_132] : memref<125x128xf32, #tpu.memory_space<vmem>> -> memref<61x128xf32, #tpu.memory_space<vmem>>
      %dma_start3A_134 = arith.constant 64 : i32
      %dma_start3A_135 = tpu.memref_slice %arg11[%dma_start3A_134] : memref<125xi32, #tpu.memory_space<vmem>> -> memref<61xi32, #tpu.memory_space<vmem>>
      %dma_start3A_136 = arith.constant 0 : i32
      %dma_start3A_137 = arith.constant 0 : i32
      %dma_start3A_138 = tpu.memref_slice %arg17[%dma_start3A_136, %dma_start3A_137] : memref<10000x128xf32, #tpu.memory_space<vmem_shared>> -> memref<10000x128xf32, #tpu.memory_space<vmem_shared>>
      tpu.enqueue_indirect_dma source(%dma_start3A_133 : memref<61x128xf32, #tpu.memory_space<vmem>>) target(%dma_start3A_138 : memref<10000x128xf32, #tpu.memory_space<vmem_shared>>) offsets(%dma_start3A_135 : memref<61xi32, #tpu.memory_space<vmem>>) semaphore(%arg26 : memref<!tpu.dma_semaphore, #tpu.memory_space<semaphore_mem>>) {add = true}
      %dma_start3A_139 = arith.constant 0 : i32
      %dma_start3A_140 = arith.constant 0 : i32
      %dma_start3A_141 = tpu.memref_slice %arg18[%dma_start3A_139, %dma_start3A_140] : memref<10000x16xf32, #tpu.memory_space<vmem_shared>> -> memref<10000x16xf32, #tpu.memory_space<vmem_shared>>
      tpu.enqueue_indirect_dma source(%arg16 : memref<125x16xf32, #tpu.memory_space<vmem>>) target(%dma_start3A_141 : memref<10000x16xf32, #tpu.memory_space<vmem_shared>>) offsets(%arg11 : memref<125xi32, #tpu.memory_space<vmem>>) semaphore(%arg27 : memref<!tpu.dma_semaphore, #tpu.memory_space<semaphore_mem>>) {add = true}
      %dma_wait3A_142 = arith.constant 0 : i32
      %dma_wait3A_143 = arith.constant 0 : i32
      %dma_wait3A_144 = tpu.memref_slice %arg14[%dma_wait3A_142, %dma_wait3A_143] : memref<125x128xf32, #tpu.memory_space<vmem>> -> memref<64x128xf32, #tpu.memory_space<vmem>>
      %dma_wait3A_145 = arith.constant 0 : i32
      %dma_wait3A_146 = tpu.memref_slice %arg11[%dma_wait3A_145] : memref<125xi32, #tpu.memory_space<vmem>> -> memref<64xi32, #tpu.memory_space<vmem>>
      %dma_wait3A_147 = arith.constant 0 : i32
      %dma_wait3A_148 = arith.constant 0 : i32
      %dma_wait3A_149 = tpu.memref_slice %arg17[%dma_wait3A_147, %dma_wait3A_148] : memref<10000x128xf32, #tpu.memory_space<vmem_shared>> -> memref<10000x128xf32, #tpu.memory_space<vmem_shared>>
      tpu.wait_indirect_dma semaphore(%arg25 : memref<!tpu.dma_semaphore, #tpu.memory_space<semaphore_mem>>) src(%dma_wait3A_144 : memref<64x128xf32, #tpu.memory_space<vmem>>) dst(%dma_wait3A_149 : memref<10000x128xf32, #tpu.memory_space<vmem_shared>>)
      %dma_wait3A_150 = arith.constant 64 : i32
      %dma_wait3A_151 = arith.constant 0 : i32
      %dma_wait3A_152 = tpu.memref_slice %arg14[%dma_wait3A_150, %dma_wait3A_151] : memref<125x128xf32, #tpu.memory_space<vmem>> -> memref<61x128xf32, #tpu.memory_space<vmem>>
      %dma_wait3A_153 = arith.constant 64 : i32
      %dma_wait3A_154 = tpu.memref_slice %arg11[%dma_wait3A_153] : memref<125xi32, #tpu.memory_space<vmem>> -> memref<61xi32, #tpu.memory_space<vmem>>
      %dma_wait3A_155 = arith.constant 0 : i32
      %dma_wait3A_156 = arith.constant 0 : i32
      %dma_wait3A_157 = tpu.memref_slice %arg17[%dma_wait3A_155, %dma_wait3A_156] : memref<10000x128xf32, #tpu.memory_space<vmem_shared>> -> memref<10000x128xf32, #tpu.memory_space<vmem_shared>>
      tpu.wait_indirect_dma semaphore(%arg26 : memref<!tpu.dma_semaphore, #tpu.memory_space<semaphore_mem>>) src(%dma_wait3A_152 : memref<61x128xf32, #tpu.memory_space<vmem>>) dst(%dma_wait3A_157 : memref<10000x128xf32, #tpu.memory_space<vmem_shared>>)
      %dma_wait3A_158 = arith.constant 0 : i32
      %dma_wait3A_159 = arith.constant 0 : i32
      %dma_wait3A_160 = tpu.memref_slice %arg18[%dma_wait3A_158, %dma_wait3A_159] : memref<10000x16xf32, #tpu.memory_space<vmem_shared>> -> memref<10000x16xf32, #tpu.memory_space<vmem_shared>>
      tpu.wait_indirect_dma semaphore(%arg27 : memref<!tpu.dma_semaphore, #tpu.memory_space<semaphore_mem>>) src(%arg16 : memref<125x16xf32, #tpu.memory_space<vmem>>) dst(%dma_wait3A_160 : memref<10000x16xf32, #tpu.memory_space<vmem_shared>>)
      %lt3A = arith.constant 39 : i32
      %lt3A_161 = arith.cmpi slt, %scan3A_61, %lt3A : i32
      %convert_element_type3A_162 = arith.extui %lt3A_161 : i1 to i32
      %cond3A_163 = arith.constant 0 : i32
      %cond3A_164 = arith.cmpi ne, %convert_element_type3A_162, %cond3A_163 : i32
      scf.if %cond3A_164 {
        %mul3A_232 = arith.constant 2 : i32
        %mul3A_233 = arith.muli %mul3A_232, %scan3A_61 : i32
        %add3A_234 = arith.constant 2 : i32
        %add3A_235 = arith.addi %mul3A_233, %add3A_234 : i32
        %dma_start3A_236 = arith.constant 0 : i32
        %dma_start3A_237 = tpu.memref_slice %arg3[%arg0, %arg1, %add3A_235, %dma_start3A_236] : memref<2x16x80x125xi32, #tpu.memory_space<hbm>> -> memref<1x1x1x125xi32, #tpu.memory_space<hbm>>
        %dma_start3A_238 = tpu.memref_squeeze %dma_start3A_237 : memref<1x1x1x125xi32, #tpu.memory_space<hbm>> -> memref<125xi32, #tpu.memory_space<hbm>>
        %dma_start3A_239 = arith.constant 0 : i32
        %dma_start3A_240 = tpu.memref_slice %arg3[%arg0, %arg1, %add3A_235, %dma_start3A_239] : memref<2x16x80x125xi32, #tpu.memory_space<hbm>> -> memref<1x1x1x125xi32, #tpu.memory_space<hbm>>
        %dma_start3A_241 = tpu.memref_squeeze %dma_start3A_240 : memref<1x1x1x125xi32, #tpu.memory_space<hbm>> -> memref<125xi32, #tpu.memory_space<hbm>>
        tpu.enqueue_dma source(%dma_start3A_241 : memref<125xi32, #tpu.memory_space<hbm>>) target(%arg10 : memref<125xi32, #tpu.memory_space<vmem>>) target_semaphore(%arg19 : memref<!tpu.dma_semaphore, #tpu.memory_space<semaphore_mem>>)
        %dma_start3A_242 = arith.constant 0 : i32
        %dma_start3A_243 = tpu.memref_slice %arg4[%arg0, %arg1, %add3A_235, %dma_start3A_242] : memref<2x16x80x125xi32, #tpu.memory_space<hbm>> -> memref<1x1x1x125xi32, #tpu.memory_space<hbm>>
        %dma_start3A_244 = tpu.memref_squeeze %dma_start3A_243 : memref<1x1x1x125xi32, #tpu.memory_space<hbm>> -> memref<125xi32, #tpu.memory_space<hbm>>
        %dma_start3A_245 = arith.constant 0 : i32
        %dma_start3A_246 = tpu.memref_slice %arg4[%arg0, %arg1, %add3A_235, %dma_start3A_245] : memref<2x16x80x125xi32, #tpu.memory_space<hbm>> -> memref<1x1x1x125xi32, #tpu.memory_space<hbm>>
        %dma_start3A_247 = tpu.memref_squeeze %dma_start3A_246 : memref<1x1x1x125xi32, #tpu.memory_space<hbm>> -> memref<125xi32, #tpu.memory_space<hbm>>
        tpu.enqueue_dma source(%dma_start3A_247 : memref<125xi32, #tpu.memory_space<hbm>>) target(%arg11 : memref<125xi32, #tpu.memory_space<vmem>>) target_semaphore(%arg19 : memref<!tpu.dma_semaphore, #tpu.memory_space<semaphore_mem>>)
      } else {
      }
      %dma_wait3A_165 = arith.constant 0 : i32
      %dma_wait3A_166 = arith.constant 0 : i32
      %dma_wait3A_167 = tpu.memref_slice %arg15[%dma_wait3A_165, %dma_wait3A_166] : memref<125x128xf32, #tpu.memory_space<vmem>> -> memref<48x128xf32, #tpu.memory_space<vmem>>
      %dma_wait3A_168 = arith.constant 0 : i32
      %dma_wait3A_169 = tpu.memref_slice %arg12[%dma_wait3A_168] : memref<125xi32, #tpu.memory_space<vmem>> -> memref<48xi32, #tpu.memory_space<vmem>>
      %dma_wait3A_170 = arith.constant 0 : i32
      %dma_wait3A_171 = arith.constant 0 : i32
      %dma_wait3A_172 = tpu.memref_slice %arg2[%dma_wait3A_170, %dma_wait3A_171] : memref<10000x128xf32, #tpu.memory_space<hbm>> -> memref<10000x128xf32, #tpu.memory_space<hbm>>
      tpu.wait_indirect_dma semaphore(%arg23 : memref<!tpu.dma_semaphore, #tpu.memory_space<semaphore_mem>>) src(%dma_wait3A_172 : memref<10000x128xf32, #tpu.memory_space<hbm>>) dst(%dma_wait3A_167 : memref<48x128xf32, #tpu.memory_space<vmem>>)
      %dma_wait3A_173 = arith.constant 48 : i32
      %dma_wait3A_174 = arith.constant 0 : i32
      %dma_wait3A_175 = tpu.memref_slice %arg15[%dma_wait3A_173, %dma_wait3A_174] : memref<125x128xf32, #tpu.memory_space<vmem>> -> memref<48x128xf32, #tpu.memory_space<vmem>>
      %dma_wait3A_176 = arith.constant 48 : i32
      %dma_wait3A_177 = tpu.memref_slice %arg12[%dma_wait3A_176] : memref<125xi32, #tpu.memory_space<vmem>> -> memref<48xi32, #tpu.memory_space<vmem>>
      %dma_wait3A_178 = arith.constant 0 : i32
      %dma_wait3A_179 = arith.constant 0 : i32
      %dma_wait3A_180 = tpu.memref_slice %arg2[%dma_wait3A_178, %dma_wait3A_179] : memref<10000x128xf32, #tpu.memory_space<hbm>> -> memref<10000x128xf32, #tpu.memory_space<hbm>>
      tpu.wait_indirect_dma semaphore(%arg24 : memref<!tpu.dma_semaphore, #tpu.memory_space<semaphore_mem>>) src(%dma_wait3A_180 : memref<10000x128xf32, #tpu.memory_space<hbm>>) dst(%dma_wait3A_175 : memref<48x128xf32, #tpu.memory_space<vmem>>)
      %dma_wait3A_181 = arith.constant 96 : i32
      %dma_wait3A_182 = arith.constant 0 : i32
      %dma_wait3A_183 = tpu.memref_slice %arg15[%dma_wait3A_181, %dma_wait3A_182] : memref<125x128xf32, #tpu.memory_space<vmem>> -> memref<29x128xf32, #tpu.memory_space<vmem>>
      %dma_wait3A_184 = arith.constant 96 : i32
      %dma_wait3A_185 = tpu.memref_slice %arg12[%dma_wait3A_184] : memref<125xi32, #tpu.memory_space<vmem>> -> memref<29xi32, #tpu.memory_space<vmem>>
      %dma_wait3A_186 = arith.constant 0 : i32
      %dma_wait3A_187 = arith.constant 0 : i32
      %dma_wait3A_188 = tpu.memref_slice %arg2[%dma_wait3A_186, %dma_wait3A_187] : memref<10000x128xf32, #tpu.memory_space<hbm>> -> memref<10000x128xf32, #tpu.memory_space<hbm>>
      tpu.wait_indirect_dma semaphore(%arg23 : memref<!tpu.dma_semaphore, #tpu.memory_space<semaphore_mem>>) src(%dma_wait3A_188 : memref<10000x128xf32, #tpu.memory_space<hbm>>) dst(%dma_wait3A_183 : memref<29x128xf32, #tpu.memory_space<vmem>>)
      %dma_start3A_189 = arith.constant 0 : i32
      %dma_start3A_190 = arith.constant 0 : i32
      %dma_start3A_191 = tpu.memref_slice %arg15[%dma_start3A_189, %dma_start3A_190] : memref<125x128xf32, #tpu.memory_space<vmem>> -> memref<64x128xf32, #tpu.memory_space<vmem>>
      %dma_start3A_192 = arith.constant 0 : i32
      %dma_start3A_193 = tpu.memref_slice %arg13[%dma_start3A_192] : memref<125xi32, #tpu.memory_space<vmem>> -> memref<64xi32, #tpu.memory_space<vmem>>
      %dma_start3A_194 = arith.constant 0 : i32
      %dma_start3A_195 = arith.constant 0 : i32
      %dma_start3A_196 = tpu.memref_slice %arg17[%dma_start3A_194, %dma_start3A_195] : memref<10000x128xf32, #tpu.memory_space<vmem_shared>> -> memref<10000x128xf32, #tpu.memory_space<vmem_shared>>
      tpu.enqueue_indirect_dma source(%dma_start3A_191 : memref<64x128xf32, #tpu.memory_space<vmem>>) target(%dma_start3A_196 : memref<10000x128xf32, #tpu.memory_space<vmem_shared>>) offsets(%dma_start3A_193 : memref<64xi32, #tpu.memory_space<vmem>>) semaphore(%arg25 : memref<!tpu.dma_semaphore, #tpu.memory_space<semaphore_mem>>) {add = true}
      %dma_start3A_197 = arith.constant 64 : i32
      %dma_start3A_198 = arith.constant 0 : i32
      %dma_start3A_199 = tpu.memref_slice %arg15[%dma_start3A_197, %dma_start3A_198] : memref<125x128xf32, #tpu.memory_space<vmem>> -> memref<61x128xf32, #tpu.memory_space<vmem>>
      %dma_start3A_200 = arith.constant 64 : i32
      %dma_start3A_201 = tpu.memref_slice %arg13[%dma_start3A_200] : memref<125xi32, #tpu.memory_space<vmem>> -> memref<61xi32, #tpu.memory_space<vmem>>
      %dma_start3A_202 = arith.constant 0 : i32
      %dma_start3A_203 = arith.constant 0 : i32
      %dma_start3A_204 = tpu.memref_slice %arg17[%dma_start3A_202, %dma_start3A_203] : memref<10000x128xf32, #tpu.memory_space<vmem_shared>> -> memref<10000x128xf32, #tpu.memory_space<vmem_shared>>
      tpu.enqueue_indirect_dma source(%dma_start3A_199 : memref<61x128xf32, #tpu.memory_space<vmem>>) target(%dma_start3A_204 : memref<10000x128xf32, #tpu.memory_space<vmem_shared>>) offsets(%dma_start3A_201 : memref<61xi32, #tpu.memory_space<vmem>>) semaphore(%arg26 : memref<!tpu.dma_semaphore, #tpu.memory_space<semaphore_mem>>) {add = true}
      %dma_start3A_205 = arith.constant 0 : i32
      %dma_start3A_206 = arith.constant 0 : i32
      %dma_start3A_207 = tpu.memref_slice %arg18[%dma_start3A_205, %dma_start3A_206] : memref<10000x16xf32, #tpu.memory_space<vmem_shared>> -> memref<10000x16xf32, #tpu.memory_space<vmem_shared>>
      tpu.enqueue_indirect_dma source(%arg16 : memref<125x16xf32, #tpu.memory_space<vmem>>) target(%dma_start3A_207 : memref<10000x16xf32, #tpu.memory_space<vmem_shared>>) offsets(%arg13 : memref<125xi32, #tpu.memory_space<vmem>>) semaphore(%arg27 : memref<!tpu.dma_semaphore, #tpu.memory_space<semaphore_mem>>) {add = true}
      %dma_wait3A_208 = arith.constant 0 : i32
      %dma_wait3A_209 = arith.constant 0 : i32
      %dma_wait3A_210 = tpu.memref_slice %arg15[%dma_wait3A_208, %dma_wait3A_209] : memref<125x128xf32, #tpu.memory_space<vmem>> -> memref<64x128xf32, #tpu.memory_space<vmem>>
      %dma_wait3A_211 = arith.constant 0 : i32
      %dma_wait3A_212 = tpu.memref_slice %arg13[%dma_wait3A_211] : memref<125xi32, #tpu.memory_space<vmem>> -> memref<64xi32, #tpu.memory_space<vmem>>
      %dma_wait3A_213 = arith.constant 0 : i32
      %dma_wait3A_214 = arith.constant 0 : i32
      %dma_wait3A_215 = tpu.memref_slice %arg17[%dma_wait3A_213, %dma_wait3A_214] : memref<10000x128xf32, #tpu.memory_space<vmem_shared>> -> memref<10000x128xf32, #tpu.memory_space<vmem_shared>>
      tpu.wait_indirect_dma semaphore(%arg25 : memref<!tpu.dma_semaphore, #tpu.memory_space<semaphore_mem>>) src(%dma_wait3A_210 : memref<64x128xf32, #tpu.memory_space<vmem>>) dst(%dma_wait3A_215 : memref<10000x128xf32, #tpu.memory_space<vmem_shared>>)
      %dma_wait3A_216 = arith.constant 64 : i32
      %dma_wait3A_217 = arith.constant 0 : i32
      %dma_wait3A_218 = tpu.memref_slice %arg15[%dma_wait3A_216, %dma_wait3A_217] : memref<125x128xf32, #tpu.memory_space<vmem>> -> memref<61x128xf32, #tpu.memory_space<vmem>>
      %dma_wait3A_219 = arith.constant 64 : i32
      %dma_wait3A_220 = tpu.memref_slice %arg13[%dma_wait3A_219] : memref<125xi32, #tpu.memory_space<vmem>> -> memref<61xi32, #tpu.memory_space<vmem>>
      %dma_wait3A_221 = arith.constant 0 : i32
      %dma_wait3A_222 = arith.constant 0 : i32
      %dma_wait3A_223 = tpu.memref_slice %arg17[%dma_wait3A_221, %dma_wait3A_222] : memref<10000x128xf32, #tpu.memory_space<vmem_shared>> -> memref<10000x128xf32, #tpu.memory_space<vmem_shared>>
      tpu.wait_indirect_dma semaphore(%arg26 : memref<!tpu.dma_semaphore, #tpu.memory_space<semaphore_mem>>) src(%dma_wait3A_218 : memref<61x128xf32, #tpu.memory_space<vmem>>) dst(%dma_wait3A_223 : memref<10000x128xf32, #tpu.memory_space<vmem_shared>>)
      %dma_wait3A_224 = arith.constant 0 : i32
      %dma_wait3A_225 = arith.constant 0 : i32
      %dma_wait3A_226 = tpu.memref_slice %arg18[%dma_wait3A_224, %dma_wait3A_225] : memref<10000x16xf32, #tpu.memory_space<vmem_shared>> -> memref<10000x16xf32, #tpu.memory_space<vmem_shared>>
      tpu.wait_indirect_dma semaphore(%arg27 : memref<!tpu.dma_semaphore, #tpu.memory_space<semaphore_mem>>) src(%arg16 : memref<125x16xf32, #tpu.memory_space<vmem>>) dst(%dma_wait3A_226 : memref<10000x16xf32, #tpu.memory_space<vmem_shared>>)
      %lt3A_227 = arith.constant 39 : i32
      %lt3A_228 = arith.cmpi slt, %scan3A_61, %lt3A_227 : i32
      %convert_element_type3A_229 = arith.extui %lt3A_228 : i1 to i32
      %cond3A_230 = arith.constant 0 : i32
      %cond3A_231 = arith.cmpi ne, %convert_element_type3A_229, %cond3A_230 : i32
      scf.if %cond3A_231 {
        %mul3A_232 = arith.constant 2 : i32
        %mul3A_233 = arith.muli %mul3A_232, %scan3A_61 : i32
        %add3A_234 = arith.constant 2 : i32
        %add3A_235 = arith.addi %mul3A_233, %add3A_234 : i32
        %dma_wait3A_236 = arith.constant 0 : i32
        %dma_wait3A_237 = tpu.memref_slice %arg3[%arg0, %arg1, %add3A_235, %dma_wait3A_236] : memref<2x16x80x125xi32, #tpu.memory_space<hbm>> -> memref<1x1x1x125xi32, #tpu.memory_space<hbm>>
        %dma_wait3A_238 = tpu.memref_squeeze %dma_wait3A_237 : memref<1x1x1x125xi32, #tpu.memory_space<hbm>> -> memref<125xi32, #tpu.memory_space<hbm>>
        %dma_wait3A_239 = arith.constant 0 : i32
        %dma_wait3A_240 = tpu.memref_slice %arg3[%arg0, %arg1, %add3A_235, %dma_wait3A_239] : memref<2x16x80x125xi32, #tpu.memory_space<hbm>> -> memref<1x1x1x125xi32, #tpu.memory_space<hbm>>
        %dma_wait3A_241 = tpu.memref_squeeze %dma_wait3A_240 : memref<1x1x1x125xi32, #tpu.memory_space<hbm>> -> memref<125xi32, #tpu.memory_space<hbm>>
        tpu.wait_dma2 semaphore(%arg19 : memref<!tpu.dma_semaphore, #tpu.memory_space<semaphore_mem>>) src(%dma_wait3A_241 : memref<125xi32, #tpu.memory_space<hbm>>) dst(%arg10 : memref<125xi32, #tpu.memory_space<vmem>>)
        %dma_wait3A_242 = arith.constant 0 : i32
        %dma_wait3A_243 = tpu.memref_slice %arg4[%arg0, %arg1, %add3A_235, %dma_wait3A_242] : memref<2x16x80x125xi32, #tpu.memory_space<hbm>> -> memref<1x1x1x125xi32, #tpu.memory_space<hbm>>
        %dma_wait3A_244 = tpu.memref_squeeze %dma_wait3A_243 : memref<1x1x1x125xi32, #tpu.memory_space<hbm>> -> memref<125xi32, #tpu.memory_space<hbm>>
        %dma_wait3A_245 = arith.constant 0 : i32
        %dma_wait3A_246 = tpu.memref_slice %arg4[%arg0, %arg1, %add3A_235, %dma_wait3A_245] : memref<2x16x80x125xi32, #tpu.memory_space<hbm>> -> memref<1x1x1x125xi32, #tpu.memory_space<hbm>>
        %dma_wait3A_247 = tpu.memref_squeeze %dma_wait3A_246 : memref<1x1x1x125xi32, #tpu.memory_space<hbm>> -> memref<125xi32, #tpu.memory_space<hbm>>
        tpu.wait_dma2 semaphore(%arg19 : memref<!tpu.dma_semaphore, #tpu.memory_space<semaphore_mem>>) src(%dma_wait3A_247 : memref<125xi32, #tpu.memory_space<hbm>>) dst(%arg11 : memref<125xi32, #tpu.memory_space<vmem>>)
        %dma_start3A_248 = arith.constant 0 : i32
        %dma_start3A_249 = arith.constant 0 : i32
        %dma_start3A_250 = tpu.memref_slice %arg14[%dma_start3A_248, %dma_start3A_249] : memref<125x128xf32, #tpu.memory_space<vmem>> -> memref<48x128xf32, #tpu.memory_space<vmem>>
        %dma_start3A_251 = arith.constant 0 : i32
        %dma_start3A_252 = tpu.memref_slice %arg10[%dma_start3A_251] : memref<125xi32, #tpu.memory_space<vmem>> -> memref<48xi32, #tpu.memory_space<vmem>>
        %dma_start3A_253 = arith.constant 0 : i32
        %dma_start3A_254 = arith.constant 0 : i32
        %dma_start3A_255 = tpu.memref_slice %arg2[%dma_start3A_253, %dma_start3A_254] : memref<10000x128xf32, #tpu.memory_space<hbm>> -> memref<10000x128xf32, #tpu.memory_space<hbm>>
        tpu.enqueue_indirect_dma source(%dma_start3A_255 : memref<10000x128xf32, #tpu.memory_space<hbm>>) target(%dma_start3A_250 : memref<48x128xf32, #tpu.memory_space<vmem>>) offsets(%dma_start3A_252 : memref<48xi32, #tpu.memory_space<vmem>>) semaphore(%arg21 : memref<!tpu.dma_semaphore, #tpu.memory_space<semaphore_mem>>)
        %dma_start3A_256 = arith.constant 48 : i32
        %dma_start3A_257 = arith.constant 0 : i32
        %dma_start3A_258 = tpu.memref_slice %arg14[%dma_start3A_256, %dma_start3A_257] : memref<125x128xf32, #tpu.memory_space<vmem>> -> memref<48x128xf32, #tpu.memory_space<vmem>>
        %dma_start3A_259 = arith.constant 48 : i32
        %dma_start3A_260 = tpu.memref_slice %arg10[%dma_start3A_259] : memref<125xi32, #tpu.memory_space<vmem>> -> memref<48xi32, #tpu.memory_space<vmem>>
        %dma_start3A_261 = arith.constant 0 : i32
        %dma_start3A_262 = arith.constant 0 : i32
        %dma_start3A_263 = tpu.memref_slice %arg2[%dma_start3A_261, %dma_start3A_262] : memref<10000x128xf32, #tpu.memory_space<hbm>> -> memref<10000x128xf32, #tpu.memory_space<hbm>>
        tpu.enqueue_indirect_dma source(%dma_start3A_263 : memref<10000x128xf32, #tpu.memory_space<hbm>>) target(%dma_start3A_258 : memref<48x128xf32, #tpu.memory_space<vmem>>) offsets(%dma_start3A_260 : memref<48xi32, #tpu.memory_space<vmem>>) semaphore(%arg22 : memref<!tpu.dma_semaphore, #tpu.memory_space<semaphore_mem>>)
        %dma_start3A_264 = arith.constant 96 : i32
        %dma_start3A_265 = arith.constant 0 : i32
        %dma_start3A_266 = tpu.memref_slice %arg14[%dma_start3A_264, %dma_start3A_265] : memref<125x128xf32, #tpu.memory_space<vmem>> -> memref<29x128xf32, #tpu.memory_space<vmem>>
        %dma_start3A_267 = arith.constant 96 : i32
        %dma_start3A_268 = tpu.memref_slice %arg10[%dma_start3A_267] : memref<125xi32, #tpu.memory_space<vmem>> -> memref<29xi32, #tpu.memory_space<vmem>>
        %dma_start3A_269 = arith.constant 0 : i32
        %dma_start3A_270 = arith.constant 0 : i32
        %dma_start3A_271 = tpu.memref_slice %arg2[%dma_start3A_269, %dma_start3A_270] : memref<10000x128xf32, #tpu.memory_space<hbm>> -> memref<10000x128xf32, #tpu.memory_space<hbm>>
        tpu.enqueue_indirect_dma source(%dma_start3A_271 : memref<10000x128xf32, #tpu.memory_space<hbm>>) target(%dma_start3A_266 : memref<29x128xf32, #tpu.memory_space<vmem>>) offsets(%dma_start3A_268 : memref<29xi32, #tpu.memory_space<vmem>>) semaphore(%arg21 : memref<!tpu.dma_semaphore, #tpu.memory_space<semaphore_mem>>)
        %mul3A_272 = arith.constant 2 : i32
        %mul3A_273 = arith.muli %mul3A_272, %scan3A_61 : i32
        %add3A_274 = arith.constant 3 : i32
        %add3A_275 = arith.addi %mul3A_273, %add3A_274 : i32
        %dma_start3A_276 = arith.constant 0 : i32
        %dma_start3A_277 = tpu.memref_slice %arg3[%arg0, %arg1, %add3A_275, %dma_start3A_276] : memref<2x16x80x125xi32, #tpu.memory_space<hbm>> -> memref<1x1x1x125xi32, #tpu.memory_space<hbm>>
        %dma_start3A_278 = tpu.memref_squeeze %dma_start3A_277 : memref<1x1x1x125xi32, #tpu.memory_space<hbm>> -> memref<125xi32, #tpu.memory_space<hbm>>
        %dma_start3A_279 = arith.constant 0 : i32
        %dma_start3A_280 = tpu.memref_slice %arg3[%arg0, %arg1, %add3A_275, %dma_start3A_279] : memref<2x16x80x125xi32, #tpu.memory_space<hbm>> -> memref<1x1x1x125xi32, #tpu.memory_space<hbm>>
        %dma_start3A_281 = tpu.memref_squeeze %dma_start3A_280 : memref<1x1x1x125xi32, #tpu.memory_space<hbm>> -> memref<125xi32, #tpu.memory_space<hbm>>
        tpu.enqueue_dma source(%dma_start3A_281 : memref<125xi32, #tpu.memory_space<hbm>>) target(%arg12 : memref<125xi32, #tpu.memory_space<vmem>>) target_semaphore(%arg20 : memref<!tpu.dma_semaphore, #tpu.memory_space<semaphore_mem>>)
        %dma_start3A_282 = arith.constant 0 : i32
        %dma_start3A_283 = tpu.memref_slice %arg4[%arg0, %arg1, %add3A_275, %dma_start3A_282] : memref<2x16x80x125xi32, #tpu.memory_space<hbm>> -> memref<1x1x1x125xi32, #tpu.memory_space<hbm>>
        %dma_start3A_284 = tpu.memref_squeeze %dma_start3A_283 : memref<1x1x1x125xi32, #tpu.memory_space<hbm>> -> memref<125xi32, #tpu.memory_space<hbm>>
        %dma_start3A_285 = arith.constant 0 : i32
        %dma_start3A_286 = tpu.memref_slice %arg4[%arg0, %arg1, %add3A_275, %dma_start3A_285] : memref<2x16x80x125xi32, #tpu.memory_space<hbm>> -> memref<1x1x1x125xi32, #tpu.memory_space<hbm>>
        %dma_start3A_287 = tpu.memref_squeeze %dma_start3A_286 : memref<1x1x1x125xi32, #tpu.memory_space<hbm>> -> memref<125xi32, #tpu.memory_space<hbm>>
        tpu.enqueue_dma source(%dma_start3A_287 : memref<125xi32, #tpu.memory_space<hbm>>) target(%arg13 : memref<125xi32, #tpu.memory_space<vmem>>) target_semaphore(%arg20 : memref<!tpu.dma_semaphore, #tpu.memory_space<semaphore_mem>>)
      } else {
      }
    }
    %scan3A_49 = arith.constant 40 : i32
    %barrier3A_50 = arith.constant 0 : index
    tpu.barrier barrier_id(%barrier3A_50)
    %eq3A_51 = arith.constant 0 : i32
    %eq3A_52 = arith.cmpi eq, %arg1, %eq3A_51 : i32
    %convert_element_type3A_53 = arith.extui %eq3A_52 : i1 to i32
    %cond3A_54 = arith.constant 0 : i32
    %cond3A_55 = arith.cmpi ne, %convert_element_type3A_53, %cond3A_54 : i32
    scf.if %cond3A_55 {
      "tpu.region"() ({
        %run_scoped3A_61 = tpu.sem_alloc : memref<!tpu.dma_semaphore, #tpu.memory_space<semaphore_mem>>
        %dma_start3A_62 = arith.constant 0 : i32
        %dma_start3A_63 = arith.constant 0 : i32
        %dma_start3A_64 = tpu.memref_slice %arg8[%arg0, %dma_start3A_62, %dma_start3A_63] : memref<2x10000x128xf32, #tpu.memory_space<hbm>> -> memref<1x10000x128xf32, #tpu.memory_space<hbm>>
        %dma_start3A_65 = tpu.memref_squeeze %dma_start3A_64 : memref<1x10000x128xf32, #tpu.memory_space<hbm>> -> memref<10000x128xf32, #tpu.memory_space<hbm>>
        tpu.enqueue_dma source(%arg17 : memref<10000x128xf32, #tpu.memory_space<vmem_shared>>) target(%dma_start3A_65 : memref<10000x128xf32, #tpu.memory_space<hbm>>) target_semaphore(%run_scoped3A_61 : memref<!tpu.dma_semaphore, #tpu.memory_space<semaphore_mem>>)
        %dma_wait3A = arith.constant 0 : i32
        %dma_wait3A_66 = arith.constant 0 : i32
        %dma_wait3A_67 = tpu.memref_slice %arg8[%arg0, %dma_wait3A, %dma_wait3A_66] : memref<2x10000x128xf32, #tpu.memory_space<hbm>> -> memref<1x10000x128xf32, #tpu.memory_space<hbm>>
        %dma_wait3A_68 = tpu.memref_squeeze %dma_wait3A_67 : memref<1x10000x128xf32, #tpu.memory_space<hbm>> -> memref<10000x128xf32, #tpu.memory_space<hbm>>
        tpu.wait_dma2 semaphore(%run_scoped3A_61 : memref<!tpu.dma_semaphore, #tpu.memory_space<semaphore_mem>>) src(%arg17 : memref<10000x128xf32, #tpu.memory_space<vmem_shared>>) dst(%dma_wait3A_68 : memref<10000x128xf32, #tpu.memory_space<hbm>>)
        tpu.yield
      }) : () -> ()
    } else {
    }
    %eq3A_56 = arith.constant 1 : i32
    %eq3A_57 = arith.cmpi eq, %arg1, %eq3A_56 : i32
    %convert_element_type3A_58 = arith.extui %eq3A_57 : i1 to i32
    %cond3A_59 = arith.constant 0 : i32
    %cond3A_60 = arith.cmpi ne, %convert_element_type3A_58, %cond3A_59 : i32
    scf.if %cond3A_60 {
      "tpu.region"() ({
        %run_scoped3A_61 = tpu.sem_alloc : memref<!tpu.dma_semaphore, #tpu.memory_space<semaphore_mem>>
        %dma_start3A_62 = arith.constant 0 : i32
        %dma_start3A_63 = arith.constant 0 : i32
        %dma_start3A_64 = tpu.memref_slice %arg9[%arg0, %dma_start3A_62, %dma_start3A_63] : memref<2x10000x16xf32, #tpu.memory_space<hbm>> -> memref<1x10000x16xf32, #tpu.memory_space<hbm>>
        %dma_start3A_65 = tpu.memref_squeeze %dma_start3A_64 : memref<1x10000x16xf32, #tpu.memory_space<hbm>> -> memref<10000x16xf32, #tpu.memory_space<hbm>>
        tpu.enqueue_dma source(%arg18 : memref<10000x16xf32, #tpu.memory_space<vmem_shared>>) target(%dma_start3A_65 : memref<10000x16xf32, #tpu.memory_space<hbm>>) target_semaphore(%run_scoped3A_61 : memref<!tpu.dma_semaphore, #tpu.memory_space<semaphore_mem>>)
        %dma_wait3A = arith.constant 0 : i32
        %dma_wait3A_66 = arith.constant 0 : i32
        %dma_wait3A_67 = tpu.memref_slice %arg9[%arg0, %dma_wait3A, %dma_wait3A_66] : memref<2x10000x16xf32, #tpu.memory_space<hbm>> -> memref<1x10000x16xf32, #tpu.memory_space<hbm>>
        %dma_wait3A_68 = tpu.memref_squeeze %dma_wait3A_67 : memref<1x10000x16xf32, #tpu.memory_space<hbm>> -> memref<10000x16xf32, #tpu.memory_space<hbm>>
        tpu.wait_dma2 semaphore(%run_scoped3A_61 : memref<!tpu.dma_semaphore, #tpu.memory_space<semaphore_mem>>) src(%arg18 : memref<10000x16xf32, #tpu.memory_space<vmem_shared>>) dst(%dma_wait3A_68 : memref<10000x16xf32, #tpu.memory_space<hbm>>)
        tpu.yield
      }) : () -> ()
    } else {
    }
    return
  }
}

module attributes {stable_mosaic.version = 14 : i64} {
  func.func @_tc_body(%arg0: i32, %arg1: memref<1000x128xf32, #tpu.memory_space<vmem>>, %arg2: memref<2x1000x128xf32, #tpu.memory_space<vmem>>, %arg3: memref<2x1000x16xf32, #tpu.memory_space<vmem>>, %arg4: memref<128x128xf32, #tpu.memory_space<vmem>>, %arg5: memref<128x128xf32, #tpu.memory_space<vmem>>, %arg6: memref<1x128xf32, #tpu.memory_space<vmem>>, %arg7: memref<1000x128xf32, #tpu.memory_space<vmem>>) attributes {dimension_semantics = [#tpu.dimension_semantics<arbitrary>], iteration_bounds = array<i64: 10>, scalar_prefetch = 0 : i64, scratch_operands = 0 : i64, tpu.core_type = #tpu.core_type<tc>, window_params = [{transform_indices = @transform_0, window_bounds = array<i64: 1000, 128>}, {transform_indices = @transform_1, window_bounds = array<i64: 2, 1000, 128>}, {transform_indices = @transform_2, window_bounds = array<i64: 2, 1000, 16>}, {pipeline_mode = #tpu.pipeline_mode<synchronous>, transform_indices = @transform_3, window_bounds = array<i64: 128, 128>}, {pipeline_mode = #tpu.pipeline_mode<synchronous>, transform_indices = @transform_4, window_bounds = array<i64: 128, 128>}, {pipeline_mode = #tpu.pipeline_mode<synchronous>, transform_indices = @transform_5, window_bounds = array<i64: 1, 128>}, {transform_indices = @transform_6, window_bounds = array<i64: 1000, 128>}]} {
    %get3A = arith.constant 0 : index
    %get3A_0 = arith.constant 0 : index
    %get3A_1 = arith.constant 0 : index
    %get3A_2 = vector.load %arg2[%get3A, %get3A_0, %get3A_1] : memref<2x1000x128xf32, #tpu.memory_space<vmem>>, vector<2x1000x128xf32>
    %get3A_3 = arith.constant 0 : index
    %get3A_4 = arith.constant 0 : index
    %get3A_5 = arith.constant 0 : index
    %get3A_6 = vector.load %arg3[%get3A_3, %get3A_4, %get3A_5] : memref<2x1000x16xf32, #tpu.memory_space<vmem>>, vector<2x1000x16xf32>
    %slice3A = vector.extract_strided_slice %get3A_2 {offsets = [0, 0, 0], sizes = [1, 1000, 128], strides = [1, 1, 1]} : vector<2x1000x128xf32> to vector<1x1000x128xf32>
    %squeeze3A = vector.shape_cast %slice3A : vector<1x1000x128xf32> to vector<1000x128xf32>
    %slice3A_7 = vector.extract_strided_slice %get3A_2 {offsets = [1, 0, 0], sizes = [1, 1000, 128], strides = [1, 1, 1]} : vector<2x1000x128xf32> to vector<1x1000x128xf32>
    %squeeze3A_8 = vector.shape_cast %slice3A_7 : vector<1x1000x128xf32> to vector<1000x128xf32>
    %add3A = arith.addf %squeeze3A, %squeeze3A_8 : vector<1000x128xf32>
    %slice3A_9 = vector.extract_strided_slice %get3A_6 {offsets = [0, 0, 0], sizes = [1, 1000, 1], strides = [1, 1, 1]} : vector<2x1000x16xf32> to vector<1x1000x1xf32>
    %squeeze3A_10 = vector.shape_cast %slice3A_9 : vector<1x1000x1xf32> to vector<1000x1xf32>
    %slice3A_11 = vector.extract_strided_slice %get3A_6 {offsets = [1, 0, 0], sizes = [1, 1000, 1], strides = [1, 1, 1]} : vector<2x1000x16xf32> to vector<1x1000x1xf32>
    %squeeze3A_12 = vector.shape_cast %slice3A_11 : vector<1x1000x1xf32> to vector<1000x1xf32>
    %add3A_13 = arith.addf %squeeze3A_10, %squeeze3A_12 : vector<1000x1xf32>
    %max3A = arith.constant 1.000000e+00 : f32
    %max3A_14 = vector.broadcast %max3A : f32 to vector<1000x1xf32>
    %max3A_15 = arith.maximumf %add3A_13, %max3A_14 : vector<1000x1xf32>
    %div3A = vector.broadcast %max3A_15 : vector<1000x1xf32> to vector<1000x128xf32>
    %div3A_16 = arith.divf %add3A, %div3A : vector<1000x128xf32>
    %get3A_17 = arith.constant 0 : index
    %get3A_18 = arith.constant 0 : index
    %get3A_19 = vector.load %arg4[%get3A_17, %get3A_18] : memref<128x128xf32, #tpu.memory_space<vmem>>, vector<128x128xf32>
    %dot_general3A = arith.constant dense<0.000000e+00> : vector<1000x128xf32>
    %dot_general3A_20 = tpu.matmul %div3A_16, %get3A_19, %dot_general3A {dimension_numbers = #tpu.dot_dimension_numbers<[1], [0], [0], [1], [0, 0, 1, 1], [], []>, transpose_lhs_hint = false} : vector<1000x128xf32>, vector<128x128xf32>, vector<1000x128xf32> -> vector<1000x128xf32>
    %get3A_21 = arith.constant 0 : index
    %get3A_22 = arith.constant 0 : index
    %get3A_23 = vector.load %arg1[%get3A_21, %get3A_22] : memref<1000x128xf32, #tpu.memory_space<vmem>>, vector<1000x128xf32>
    %get3A_24 = arith.constant 0 : index
    %get3A_25 = arith.constant 0 : index
    %get3A_26 = vector.load %arg5[%get3A_24, %get3A_25] : memref<128x128xf32, #tpu.memory_space<vmem>>, vector<128x128xf32>
    %dot_general3A_27 = arith.constant dense<0.000000e+00> : vector<1000x128xf32>
    %dot_general3A_28 = tpu.matmul %get3A_23, %get3A_26, %dot_general3A_27 {dimension_numbers = #tpu.dot_dimension_numbers<[1], [0], [0], [1], [0, 0, 1, 1], [], []>, transpose_lhs_hint = false} : vector<1000x128xf32>, vector<128x128xf32>, vector<1000x128xf32> -> vector<1000x128xf32>
    %add3A_29 = arith.addf %dot_general3A_20, %dot_general3A_28 : vector<1000x128xf32>
    %get3A_30 = arith.constant 0 : index
    %get3A_31 = arith.constant 0 : index
    %get3A_32 = vector.load %arg6[%get3A_30, %get3A_31] : memref<1x128xf32, #tpu.memory_space<vmem>>, vector<1x128xf32>
    %add3A_33 = vector.broadcast %get3A_32 : vector<1x128xf32> to vector<1000x128xf32>
    %add3A_34 = arith.addf %add3A_29, %add3A_33 : vector<1000x128xf32>
    %max3A_35 = arith.constant 0.000000e+00 : f32
    %max3A_36 = vector.broadcast %max3A_35 : f32 to vector<1000x128xf32>
    %max3A_37 = arith.maximumf %add3A_34, %max3A_36 : vector<1000x128xf32>
    %swap3A = arith.constant 0 : index
    %swap3A_38 = arith.constant 0 : index
    %swap3A_39 = vector.load %arg7[%swap3A, %swap3A_38] : memref<1000x128xf32, #tpu.memory_space<vmem>>, vector<1000x128xf32>
    tpu.vector_store %arg7[%swap3A, %swap3A_38], %max3A_37 {strides = array<i32>} : memref<1000x128xf32, #tpu.memory_space<vmem>>, vector<1000x128xf32>,
    return
  }
  func.func @transform_0(%arg0: i32) -> (i32, i32) {
    %c0_i32 = arith.constant 0 : i32
    %c0_i32_0 = arith.constant 0 : i32
    return %arg0, %c0_i32 : i32, i32
  }
  func.func @transform_1(%arg0: i32) -> (i32, i32, i32) {
    %c0_i32 = arith.constant 0 : i32
    %c0_i32_0 = arith.constant 0 : i32
    %c0_i32_1 = arith.constant 0 : i32
    return %c0_i32, %arg0, %c0_i32_0 : i32, i32, i32
  }
  func.func @transform_2(%arg0: i32) -> (i32, i32, i32) {
    %c0_i32 = arith.constant 0 : i32
    %c0_i32_0 = arith.constant 0 : i32
    %c0_i32_1 = arith.constant 0 : i32
    return %c0_i32, %arg0, %c0_i32_0 : i32, i32, i32
  }
  func.func @transform_3(%arg0: i32) -> (i32, i32) {
    %c0_i32 = arith.constant 0 : i32
    %c0_i32_0 = arith.constant 0 : i32
    %c0_i32_1 = arith.constant 0 : i32
    return %c0_i32, %c0_i32_0 : i32, i32
  }
  func.func @transform_4(%arg0: i32) -> (i32, i32) {
    %c0_i32 = arith.constant 0 : i32
    %c0_i32_0 = arith.constant 0 : i32
    %c0_i32_1 = arith.constant 0 : i32
    return %c0_i32, %c0_i32_0 : i32, i32
  }
  func.func @transform_5(%arg0: i32) -> (i32, i32) {
    %c0_i32 = arith.constant 0 : i32
    %c0_i32_0 = arith.constant 0 : i32
    %c0_i32_1 = arith.constant 0 : i32
    return %c0_i32, %c0_i32_0 : i32, i32
  }
  func.func @transform_6(%arg0: i32) -> (i32, i32) {
    %c0_i32 = arith.constant 0 : i32
    %c0_i32_0 = arith.constant 0 : i32
    return %arg0, %c0_i32 : i32, i32
  }
}

</mosaic_0001>

<sc_bundles>
// kernel: kernel.4.cloned.1.call-start
scs
__scs_entry_jumppad:
0x0: {  	(pc) =	sbr.rel $0x88, $3  }
0x1: {  	(tag) =	ssettag $0x0;
	lr =	simm.s32 $0x1  }
0x2: {  	[smem:$0x3F9C] =	sst lr;
	_ =	strace $0xD0000000  }
0x3: {  	_ = 	snop  }
0x4: {  	_ = 	snop  }
0x5: {  	_ = 	snop  }
0x6: {  	_ = 	snop  }
0x7: {  	_ = 	snop  }
__scs_overlays_trampoline_lowered:
0x8: {  	[smem:$0x3FAB] =	sst s0  }
0x9: {  	[smem:$0x3FAC] =	sst s1  }
0xa: {  	[smem:$0x3FAD] =	sst s2  }
0xb: {  	[smem:$0x3FAE] =	sst s3  }
0xc: {  	[smem:$0x3FAF] =	sst s4  }
0xd: {  	[smem:$0x3FB0] =	sst s5  }
0xe: {  	[smem:$0x3FB1] =	sst s6  }
0xf: {  	[smem:$0x3FB2] =	sst s7  }
0x10: {  	[smem:$0x3FB3] =	sst s8  }
0x11: {  	[smem:$0x3FB4] =	sst s9;
	s0 =	simm.s32 @!p0 $0x0  }
0x12: {  	s1 =	sld [smem:$0x3F9A];
	s0 =	simm.s32 @p0 $0x1  }
0x13: {  	[smem:$0x3FB5] =	sst s0;
	s0 =	simm.s32 @!p1 $0x0  }
0x14: {  	s2 =	sld [smem:$0x3F99];
	s0 =	simm.s32 @p1 $0x1  }
0x15: {  	[smem:$0x3FB6] =	sst s0;
	s0 =	simm.s32 @!p2 $0x0  }
0x16: {  	s3 =	sld [smem:$0x3FDB];
	s0 =	simm.s32 @p2 $0x1  }
0x17: {  	s4 =	simm.s32 $0x1BF5;
	[smem:$0x3FB8] =	sst s0  }
0x18: {  	s0 =	sld [smem:$0x3F9B];
	_ =	swait.ge [sflag:s4], $0x0  }
0x19: {  	s7 =	sld [smem:$0x3F9C]  }
0x1a: {  	s8 =	sadd.s32 $0xFFFFE003, lr  }
0x1b: {  	s9 =	sadd.s32 $0xFFFFFEF7, lr;
	s5 =	simm.s32 $0xFFFFFFFF;
	p2 =	slt.u32 s8, $0xFFFFF086  }
0x1c: {  	p1 =	slt.u32 s9, $0xF7A;
	s5 =	simm.s32 @!p2 $0x0  }
0x1d: {  	s5 =	simm.s32 @p1 $0x1;
	p0 =	seq.s32 s7, s2  }
0x1e: {  	s7 =	smul.u32 @!p0 $0xF7A, s2;
	p2 =	seq.s32 @!p0 s5, $0x0  }
0x1f: {  	s9 =	smul.u32 $0xF7A, s1;
	s8 =	simm.s32 @!p0 $0x1BF5;
	p2 =	por !p2, p0  }
0x20: {  	[sflag:s8] =	ssyncset.s32 @!p0 $0xFFFFF086;
	s6 =	sadd.s32 @!p0 s3, s7;
	s7 =	simm.s32 @!p0 $0x108  }
0x21: {  	s3 =	sadd.s32 s3, s9;
	s6 =	sadd.s32 @!p0 $0x88, s6;
	s7 =	simm.s32 @p2 $0x1082  }
0x22: {  	[simem:s7], [sflag:s8] =	dma.local @!p0 [hbm:s6], $0xF7A  }
0x23: {  	s9 =	sor.u32 $0xD0000000, s2;
	s6 =	simm.s32 $0x108;
	_ =	swait.ge @!p0 [sflag:s8], $0x0  }
0x24: {  	s3 =	sadd.s32 $0x88, s3;
	s6 =	simm.s32 @!p1 $0x1082;
	[sflag:s4] =	ssyncset.s32 $0xFFFFF086  }
0x25: {  	[simem:s6], [sflag:s4] =	dma.local [hbm:s3], $0xF7A  }
0x26: {  	[smem:$0x3F9C] =	sst s1;
	(tag) =	ssettag s2;
	_ =	strace s9  }
0x27: {  	s1 =	sld [smem:$0x3FAC]  }
0x28: {  	s2 =	sld [smem:$0x3FAD]  }
0x29: {  	s4 =	sld [smem:$0x3FAF]  }
0x2a: {  	p0 =	seq.s32 s5, $0x0;
	s5 =	sld [smem:$0x3FB0]  }
0x2b: {  	s6 =	sld [smem:$0x3FB1]  }
0x2c: {  	s7 =	sld [smem:$0x3FB2]  }
0x2d: {  	s3 =	simm.s32 $0x108;
	s8 =	sld [smem:$0x3FB3]  }
0x2e: {  	s3 =	simm.s32 @!p0 $0x1082;
	s9 =	sld [smem:$0x3FB4]  }
0x2f: {  	lr =	sadd.s32 s0, s3;
	s0 =	sld [smem:$0x3FAB]  }
0x30: {  	s3 =	sld [smem:$0x3FAE]  }
0x31: {  	[smem:$0x3FB7] =	sst s10  }
0x32: {  	s10 =	sld [smem:$0x3FB5];
	_ =	sdelay $0x3  }
0x33: {  	p0 =	seq.s32 s10, $0x1;
	s10 =	sld [smem:$0x3FB7];
	_ =	sdelay $0x3  }
0x34: {  	[smem:$0x3FB7] =	sst s10  }
0x35: {  	s10 =	sld [smem:$0x3FB6];
	_ =	sdelay $0x3  }
0x36: {  	p1 =	seq.s32 s10, $0x1;
	s10 =	sld [smem:$0x3FB7];
	_ =	sdelay $0x3  }
0x37: {  	[smem:$0x3FB7] =	sst s10  }
0x38: {  	s10 =	sld [smem:$0x3FB8]  }
0x39: {  	_ = 	snop;
	(pc) =	sbr.ind lr, $3  }
0x3a: {  	_ = 	snop  }
0x3b: {  	_ = 	snop  }
0x3c: {  	p2 =	seq.s32 s10, $0x1;
	s10 =	sld [smem:$0x3FB7]  }
0x3d: {  	_ =	shalt  }
0x3e: {  	_ =	shalt  }
0x3f: {  	_ =	shalt  }
0x40: {  	_ =	shalt  }
0x41: {  	_ =	shalt  }
0x42: {  	_ =	shalt  }
0x43: {  	_ =	shalt  }
0x44: {  	_ =	shalt  }
0x45: {  	_ =	shalt  }
0x46: {  	_ =	shalt  }
0x47: {  	_ =	shalt  }
0x48: {  	_ =	shalt  }
0x49: {  	_ =	shalt  }
0x4a: {  	_ =	shalt  }
0x4b: {  	_ =	shalt  }
0x4c: {  	_ =	shalt  }
0x4d: {  	_ =	shalt  }
0x4e: {  	_ =	shalt  }
0x4f: {  	_ =	shalt  }
0x50: {  	_ =	shalt  }
0x51: {  	_ =	shalt  }
0x52: {  	_ =	shalt  }
0x53: {  	_ =	shalt  }
0x54: {  	_ =	shalt  }
0x55: {  	_ =	shalt  }
0x56: {  	_ =	shalt  }
0x57: {  	_ =	shalt  }
0x58: {  	_ =	shalt  }
0x59: {  	_ =	shalt  }
0x5a: {  	_ =	shalt  }
0x5b: {  	_ =	shalt  }
0x5c: {  	_ =	shalt  }
0x5d: {  	_ =	shalt  }
0x5e: {  	_ =	shalt  }
0x5f: {  	_ =	shalt  }
0x60: {  	_ =	shalt  }
0x61: {  	_ =	shalt  }
0x62: {  	_ =	shalt  }
0x63: {  	_ =	shalt  }
0x64: {  	_ =	shalt  }
0x65: {  	_ =	shalt  }
0x66: {  	_ =	shalt  }
0x67: {  	_ =	shalt  }
0x68: {  	_ =	shalt  }
0x69: {  	_ =	shalt  }
0x6a: {  	_ =	shalt  }
0x6b: {  	_ =	shalt  }
0x6c: {  	_ =	shalt  }
0x6d: {  	_ =	shalt  }
0x6e: {  	_ =	shalt  }
0x6f: {  	_ =	shalt  }
0x70: {  	_ =	shalt  }
0x71: {  	_ =	shalt  }
0x72: {  	_ =	shalt  }
0x73: {  	_ =	shalt  }
0x74: {  	_ =	shalt  }
0x75: {  	_ =	shalt  }
0x76: {  	_ =	shalt  }
0x77: {  	_ =	shalt  }
0x78: {  	_ =	shalt  }
0x79: {  	_ =	shalt  }
0x7a: {  	_ =	shalt  }
0x7b: {  	_ =	shalt  }
0x7c: {  	_ =	shalt  }
0x7d: {  	_ =	shalt  }
0x7e: {  	_ =	shalt  }
0x7f: {  	_ =	shalt  }
0x80: {  	_ =	shalt  }
0x81: {  	_ =	shalt  }
0x82: {  	_ =	shalt  }
0x83: {  	_ =	shalt  }
0x84: {  	_ =	shalt  }
0x85: {  	_ =	shalt  }
0x86: {  	_ =	shalt  }
0x87: {  	_ =	shalt  }
.Lfunc_end0:
.L_simem_size_0:
called_computation_lowered:
.L_overlay_start_0:
0x88: {  	s2 =	sld [smem:$0x3FD9]  }
0x89: {  	s3 =	sld [smem:$0x3FFE];
	_ =	sdelay $0x1  }
0x8a: {  	s1 =	srdreg.scid  }
0x8b: {  	s0 =	sand.u32 $0x1, s1  }
0x8c: {  	s17 =	sshll.u32 s0, $0xA;
	s2 =	sadd.s32 s3, s2  }
0x8d: {  	s2 =	sadd.s32 s2, s17  }
0x8e: {  	[smem:$0x3FC3] =	sst s2  }
0x8f: {  	_ = 	snop  }
0x90: {  	s2 =	sld [smem:$0x3FC9]  }
0x91: {  	s18 =	sld [smem:$0x3FD0];
	(tm) =	ssettm $0x1  }
0x92: {  	s4 =	sld [smem:$0x3FFB];
	_ =	sdelay $0x3  }
0x93: {  	_ =	strace s4  }
0x94: {  	s4 =	sld [smem:$0x3FFC];
	_ =	sdelay $0x3  }
0x95: {  	_ =	strace s4  }
0x96: {  	s4 =	sld [smem:$0x3FFD];
	_ =	sdelay $0x3  }
0x97: {  	_ =	strace s4  }
0x98: {  	_ =	strace $0x8FFFFFFF  }
0x99: {  	s19 =	sld [smem:$0x3FDB];
	_ =	sdelay $0x1  }
0x9a: {  	s5 =	simm.s32 $_scs_section_size  }
0x9b: {  	s6 =	simm.s32 $_size__tile_overlayer_lowered;
	s7 =	simm.s32 $_tile_overlayer_lowered  }
0x9c: {  	s22 =	simm.s32 $0x1BFF;
	s21 =	sshll.u32 s7, $0x1;
	s4 =	sadd.s32 s5, s19  }
0x9d: {  	s8 =	simm.s32 $0x0;
	s20 =	sshll.u32 s6, $0x1;
	s6 =	sadd.s32 s21, s4  }
0x9e: {  	[timem:s8], [sflag:s22] =	dma.local [hbm:s6], s20  }
0x9f: {  	_ =	swait.ge [sflag:s22], s20  }
0xa0: {  	s5 =	ssub.s32 $0x0, s20;
	[sflag:s22] =	ssyncset.done $0x0  }
0xa1: {  	[sflag:s22] =	ssyncadd.s32 s5;
	_ =	sdelay $0x1  }
0xa2: {  	s23 =	simm.s32 $0x1B8B  }
0xa3: {  	_ =	swait.ge [sflag:s23], $0x1  }
0xa4: {  	[sflag:s23] =	ssyncset.done $0x0  }
0xa5: {  	s25 =	simm.s32 $0x1B8E;
	s24 =	sld [smem:$0x3FFE];
	[sflag:s23] =	ssyncadd.s32 $0xFFFFFFFF  }
0xa6: {  	s26 =	simm.s32 $execute0_lowered;
	[smem:$0x3FD2] =	sst s25  }
0xa7: {  	s6 =	sshll.u32 s26, $0x1;
	_ =	strace $0x80000046;
	[dreg:$0x1] =	wrdreg $0xFFFFFFFF  }
0xa8: {  	s28 =	simm.s32 $_size_execute0_lowered;
	s4 =	sadd.s32 s4, s6;
	[dreg:$0x0] =	wrdreg $0x0  }
0xa9: {  	s6 =	sshll.u32 s28, $0x1;
	[dreg:$0x2] =	wrdreg s4  }
0xaa: {  	[dreg:$0x3] =	wrdreg s6  }
0xab: {  	[dreg:$0x4] =	wrdreg $0xC0  }
0xac: {  	_ =	task [dreg:s8], $0x5FFFF  }
0xad: {  	[dreg:$0x1] =	wrdreg $0xFFFFFFFF  }
0xae: {  	[dreg:$0x0] =	wrdreg $0x60  }
0xaf: {  	[dreg:$0x2] =	wrdreg s2  }
0xb0: {  	[dreg:$0x3] =	wrdreg s24  }
0xb1: {  	[dreg:$0x4] =	wrdreg s18  }
0xb2: {  	[dreg:$0x5] =	wrdreg $0x86D00  }
0xb3: {  	[dreg:$0x6] =	wrdreg $0x1BF500  }
0xb4: {  	[dreg:$0x7] =	wrdreg $0x9  }
0xb5: {  	_ =	task.clear_ibuf [dreg:s8], $0x8FFFF;
	_ =	strace $0x90000046  }
0xb6: {  	s29 =	simm.s32 $0x9;
	_ =	strace $0x80000048  }
0xb7: {  	_ =	swait.ge [sflag:s29], $0x1  }
0xb8: {  	[sflag:s29] =	ssyncadd.s32 $0xFFFFFFFF  }
0xb9: {  	_ =	strace $0x90000048  }
0xba: {  	_ =	sfence  }
0xbb: {  	s30 =	sld [smem:$0x0];
	_ =	sdelay $0x2  }
0xbc: {  	s31 =	sshll.u32 s1, $0xD;
	s1 =	sshrl.u32 s1, $0x2  }
0xbd: {  	s3 =	sand.u32 $0x4000, s31;
	s1 =	sadd.s32 s1, s30  }
0xbe: {  	s0 =	sor.u32 s3, s0;
	s1 =	sshll.u32 s1, $0x11  }
0xbf: {  	s0 =	sor.u32 s1, s0  }
0xc0: {  	s0 =	sadd.s32 $0x8F2B, s0  }
0xc1: {  	[sflag:s0] =	ssyncadd.remote.s32 $0x1  }
0xc2: {  	_ =	sfence.sel $0xFFFF  }
0xc3: {  	[dreg:$0x0] =	wrdreg $0xFFFFFFFF;
	(pc) =	sbr.abs _section_cstart, $3  }
0xc4: {  	[dreg:$0x1] =	wrdreg $0xFFFFFFFF  }
0xc5: {  	_ =	task.clear_ibuf [dreg:s8], $0x2FFFF;
	_ =	strace $0x9FFFFFFF  }
0xc6: {  	(tm) =	ssettm $0x7FFFFFFF  }
0xc7: {  	_ =	shalt  }
tec
execute0_lowered:
.L_overlay_start_1:
0x0: {  	(tag) =	ssettag $0x1  }
0x1: {  	s0 =	rddreg [dreg:$0x0]  }
0x2: {  	s1 =	rddreg [dreg:$0x1]  }
0x3: {  	s3 =	rddreg [dreg:$0x3]  }
0x4: {  	s4 =	rddreg [dreg:$0x4];
	s2 =	srdreg.scid;
	s5 =	simm.s32 $0x0  }
0x5: {  	s12 =	stileid.u32;
	p1 =	por $0x0, $0x0;
	s28 =	simm.s32 $0x1D  }
0x6: {  	s31 =	simm.s32 $0x100;
	s13 =	simm.s32 $0x40;
	s14 =	simm.s32 $0x3D  }
0x7: {  	s29 =	simm.s32 $0x8;
	s30 =	simm.s32 $0x9;
	s15 =	simm.s32 $0x1  }
0x8: {  	s2 =	sand.u32 $0x1, s2;
	[smem:$0x7FF] =	sst s5;
	s8 =	sadd.s32 $0xB000, s1  }
0x9: {  	s9 =	sadd.s32 $0x1000, s1;
	s10 =	smul.u32 $0x2800, s12;
	s11 =	sadd.s32 $0x15200, s1  }
0xa: {  	s16 =	sadd.s32 $0x15000, s1;
	p0 =	seq.s32 s12, $0x1;
	s6 =	smul.u32 $0x27100, s2  }
0xb: {  	_ =	strace $0x80000047;
	s7 =	smul.u32 $0x28000, s2;
	[dreg:$0x6] =	wrdreg s11  }
0xc: {  	s17 =	smul.u32 $0x4E20, s2;
	s2 =	ssub.s32 $0x2, s2;
	p3 =	sne.s32 @!p0 s12, $0x0  }
0xd: {  	[dreg:$0x7] =	wrdreg s16;
	s18 =	sshrl.u32 s2, $0x1;
	p2 =	por p3, p0  }
0xe: {  	p4 =	por !p3, p0;
	p3 =	sne.s32 s12, $0x0;
	s12 =	simm.s32 $0x4  }
0xf: {  	s6 =	sadd.s32 s6, s1;
	s7 =	sadd.s32 s10, s7;
	s1 =	sadd.s32 s17, s1  }
0x10: {  	s2 =	ssub.s32 s2, s18;
	s19 =	sshrl.u32 s7, $0x3;
	s6 =	sadd.s32 $0x24000, s6  }
0x11: {  	s1 =	sadd.s32 $0x1A200, s1;
	s23 =	sor.u32 $0x180, s7;
	s2 =	smax.u32 s2, $0x1  }
0x12: {  	s24 =	sor.u32 $0x100, s7;
	s7 =	simm.s32 $0x5;
	[dreg:$0xc] =	wrdreg s6  }
0x13: {  	s20 =	sadd.s32 s8, s19;
	s21 =	sor.u32 $0x10, s19;
	[dreg:$0xd] =	wrdreg s1  }
0x14: {  	s11 =	sadd.s32 s9, s19;
	[dreg:$0xe] =	wrdreg s2;
	s1 =	sshrl.u32 s23, $0x3  }
0x15: {  	s26 =	sshrl.u32 s24, $0x3;
	s23 =	simm.s32 $0x80;
	s24 =	simm.s32 $0x30  }
0x16: {  	s2 =	simm.s32 $0x2;
	s6 =	simm.s32 $0x4080;
	[dreg:$0x8] =	wrdreg s20  }
0x17: {  	[dreg:$0x9] =	wrdreg s11;
	s22 =	sadd.s32 s8, s21;
	s10 =	sadd.s32 s9, s21  }
0x18: {  	s25 =	sadd.s32 s1, s9;
	s17 =	sadd.s32 s1, s8;
	s18 =	sadd.s32 s26, s9  }
.Ltmp0:
0x19: {  	s19 =	sadd.s32 s26, s8;
	[dreg:$0xa] =	wrdreg s22;
	(pc) =	sbr.rel .LBB2_1-.Ltmp0, $4  }
0x1a: {  	s1 =	sshrl.u32 @p0 s4, $0x3;
	s21 =	simm.s32 $0x7F00;
	[dreg:$0xb] =	wrdreg s10  }
0x1b: {  	s11 =	simm.s32 $0x3;
	s26 =	simm.s32 $0x7;
	[dreg:$0xf] =	wrdreg s25  }
0x1c: {  	s8 =	simm.s32 $0x6;
	[dreg:$0x10] =	wrdreg s1;
	s25 =	simm.s32 $0x200  }
0x1d: {  	s1 =	simm.s32 $0x180;
	s22 =	simm.s32 $0x7D;
	s10 =	simm.s32 $0x0  }
.LBB2_4:
0x1e: {  	[bflag:$0x0] =	sbarrier.arrive $0xFFFF  }
0x1f: {  	s4 =	sshrl.u32 @!p3 s3, $0x3;
	s9 =	simm.s32 @!p3 $0x1C0A;
	s10 =	rddreg [dreg:$0xc]  }
0x20: {  	[hbm:s10], [sflag:s9] =	dma.local @!p3 [spmem:s4], $0x27100  }
0x21: {  	s4 =	simm.s32 @!p3 $0xA  }
0x22: {  	_ =	swait.ge @!p3 [sflag:s4], $0x27100  }
0x23: {  	s9 =	stileid.u32;
	[sflag:s4] =	ssyncset.done @!p3 $0x0  }
0x24: {  	s9 =	sshll.u32 @p5 s9, $0x6;
	[sflag:s4] =	ssyncadd.s32 @!p3 $0xFFFD8F00  }
0x25: {  	s4 =	sor.u32 @p5 $0x1C0A, s9;
	s9 =	rddreg [dreg:$0x4]  }
0x26: {  	s10 =	rddreg [dreg:$0xd];
	s9 =	sshrl.u32 @p5 s9, $0x3  }
0x27: {  	[hbm:s10], [sflag:s4] =	dma.local @p5 [spmem:s9], $0x4E20  }
0x28: {  	s4 =	simm.s32 @p5 $0xA  }
0x29: {  	_ =	swait.ge @p5 [sflag:s4], $0x4E20  }
0x2a: {  	s16 =	rddreg [dreg:$0x11]  }
0x2b: {  	s20 =	rddreg [dreg:$0xe];
	s10 =	sadd.s32 $0x1, s16  }
0x2c: {  	p6 =	sne.s32 s10, s20  }
.Ltmp1:
0x2d: {  	_ = 	snop;
	(pc) =	sbr.rel @!p6 .LBB2_5-.Ltmp1, $3  }
0x2e: {  	_ =	sdelay $0x1  }
0x2f: {  	[sflag:s4] =	ssyncset.done @p5 $0x0  }
0x30: {  	[sflag:s4] =	ssyncadd.s32 @p5 $0xFFFFB1E0  }
.LBB2_1:
0x31: {  	[dreg:$0x11] =	wrdreg s10  }
0x32: {  	s4 =	rddreg [dreg:$0x6]  }
0x33: {  	s20 =	simm.s32 @p0 $0x1C4A;
	s9 =	rddreg [dreg:$0x10]  }
0x34: {  	[spmem:s9], [sflag:s20] =	dma.local @p0 [hbm:s4], $0x4E20  }
0x35: {  	s20 =	simm.s32 @p0 $0xA  }
0x36: {  	_ =	swait.ge @p0 [sflag:s20], $0x4E20  }
0x37: {  	[sflag:s20] =	ssyncset.done @p0 $0x0  }
0x38: {  	[sflag:s20] =	ssyncadd.s32 @p0 $0xFFFFB1E0  }
0x39: {  	s9 =	sshrl.u32 @!p2 s3, $0x3;
	s20 =	simm.s32 @!p2 $0x1C0A;
	s4 =	rddreg [dreg:$0x2]  }
0x3a: {  	[spmem:s9], [sflag:s20] =	dma.local @!p2 [hbm:s4], $0x27100  }
0x3b: {  	s20 =	simm.s32 @!p2 $0xA  }
0x3c: {  	_ =	swait.ge @!p2 [sflag:s20], $0x27100  }
0x3d: {  	[sflag:s20] =	ssyncset.done @!p2 $0x0  }
0x3e: {  	s16 =	rddreg [dreg:$0x7];
	[sflag:s20] =	ssyncadd.s32 @!p2 $0xFFFD8F00;
	s20 =	simm.s32 $0xA  }
0x3f: {  	[tilespmem:s21], [sflag:$0xA] =	stream.linear.gather [hbm4b:s16+s5], $0x7D0, $0x38;
	[tilespmem:$0x1E660] =	vst v63  }
0x40: {  	_ =	swait.ge [sflag:s20], $0x7D0  }
0x41: {  	[sflag:s20] =	ssyncset.done $0x0  }
0x42: {  	s10 =	rddreg [dreg:$0x8];
	[sflag:s20] =	ssyncadd.s32 $0xFFFFF830  }
0x43: {  	[tilespmem:s5], [sflag:$0xA] =	stream.linear.gather [hbm4b:s10+s5], $0x80, $0x38;
	[tilespmem:$0x1E660] =	vst v63  }
0x44: {  	_ =	swait.ge [sflag:s20], $0x80  }
0x45: {  	[sflag:s20] =	ssyncset.done $0x0  }
0x46: {  	s16 =	rddreg [dreg:$0x9];
	[sflag:s20] =	ssyncadd.s32 $0xFFFFFF80  }
0x47: {  	[tilespmem:s23], [sflag:$0xA] =	stream.linear.gather [hbm4b:s16+s5], $0x80, $0x38;
	[tilespmem:$0x1E660] =	vst v63  }
0x48: {  	_ =	swait.ge [sflag:s20], $0x80  }
0x49: {  	[sflag:s20] =	ssyncset.done $0x0  }
0x4a: {  	[sflag:s20] =	ssyncadd.s32 $0xFFFFFF80  }
0x4b: {  	[bflag:$0x0] =	sbarrier.arrive $0xFFFF  }
0x4c: {  	[tilespmem:s25], [sflag:$0x3] =	stream.indirect.gather [hbm4b:s0+s24], $0x80, s5, s24, $0xb8;
	[tilespmem:$0x1E660] =	vst v63  }
0x4d: {  	s20 =	simm.s32 $0x1A00  }
0x4e: {  	[tilespmem:s20], [sflag:$0x4] =	stream.indirect.gather [hbm4b:s0+s24], $0x80, s24, s24, $0xb8;
	[tilespmem:$0x1E660] =	vst v63  }
0x4f: {  	s9 =	simm.s32 $0x60;
	s10 =	simm.s32 $0x3200  }
0x50: {  	[tilespmem:s10], [sflag:$0x3] =	stream.indirect.gather [hbm4b:s0+s28], $0x80, s9, s28, $0xb8;
	[tilespmem:$0x1E660] =	vst v63  }
0x51: {  	p6 =	por @!p2 $0x0, $0x0;
	s16 =	rddreg [dreg:$0xa]  }
0x52: {  	[tilespmem:s31], [sflag:$0x2] =	stream.linear.gather [hbm4b:s16+s5], $0x80, $0x38;
	[tilespmem:$0x1E660] =	vst v63  }
0x53: {  	p5 =	por @p0 $0x1, $0x1;
	p6 =	por @!p4 p1, p1;
	s20 =	rddreg [dreg:$0xb]  }
0x54: {  	[tilespmem:s1], [sflag:$0x2] =	stream.linear.gather [hbm4b:s20+s5], $0x80, $0x38;
	[tilespmem:$0x1E660] =	vst v63  }
0x55: {  	p5 =	por @!p0 p6, p6;
	s20 =	simm.s32 $0x0  }
.LBB2_2:
0x56: {  	_ =	swait.ge [sflag:s2], $0x80  }
0x57: {  	[sflag:s2] =	ssyncset.done $0x0  }
0x58: {  	[sflag:s2] =	ssyncadd.s32 $0xFFFFFF80  }
0x59: {  	_ =	swait.ge [sflag:s2], $0x80  }
0x5a: {  	[sflag:s2] =	ssyncset.done $0x0  }
0x5b: {  	[sflag:s2] =	ssyncadd.s32 $0xFFFFFF80  }
0x5c: {  	[tilespmem:s6], [sflag:$0x5] =	stream.indirect.gather [hbm4b:s0+s24], $0x80, s31, s24, $0xb8;
	[tilespmem:$0x1E660] =	vst v63  }
0x5d: {  	s4 =	simm.s32 $0x130;
	s9 =	simm.s32 $0x5880  }
0x5e: {  	[tilespmem:s9], [sflag:$0x6] =	stream.indirect.gather [hbm4b:s0+s24], $0x80, s4, s24, $0xb8;
	[tilespmem:$0x1E660] =	vst v63  }
0x5f: {  	s10 =	simm.s32 $0x160;
	s16 =	simm.s32 $0x7080  }
0x60: {  	[tilespmem:s16], [sflag:$0x5] =	stream.indirect.gather [hbm4b:s0+s28], $0x80, s10, s28, $0xb8;
	[tilespmem:$0x1E660] =	vst v63  }
0x61: {  	_ =	swait.ge [sflag:s11], $0x1800  }
0x62: {  	[sflag:s11] =	ssyncset.done $0x0  }
0x63: {  	[sflag:s11] =	ssyncadd.s32 $0xFFFFE800  }
0x64: {  	_ =	swait.ge [sflag:s12], $0x1800  }
0x65: {  	[sflag:s12] =	ssyncset.done $0x0  }
0x66: {  	[sflag:s12] =	ssyncadd.s32 $0xFFFFE800  }
0x67: {  	_ =	swait.ge [sflag:s11], $0xE80  }
0x68: {  	[sflag:s11] =	ssyncset.done $0x0  }
0x69: {  	[sflag:s11] =	ssyncadd.s32 $0xFFFFF180  }
0x6a: {  	[spmem:s3] =	stream.indirect.scatter.add.f32 [tilespmem:s25], [sflag:$0x7], $0x80, s23, s13, $0xb8;
	[tilespmem:$0x1E660] =	vst v63  }
0x6b: {  	s10 =	simm.s32 $0xC0;
	s16 =	simm.s32 $0x2200  }
0x6c: {  	[spmem:s3] =	stream.indirect.scatter.add.f32 [tilespmem:s16], [sflag:$0x8], $0x80, s10, s14, $0xb8;
	[tilespmem:$0x1E660] =	vst v63  }
0x6d: {  	s16 =	rddreg [dreg:$0x4]  }
0x6e: {  	[spmem:s16] =	stream.indirect.scatter.add.f32 [tilespmem:s21], [sflag:$0x9], $0x10, s23, s22, $0xb8;
	[tilespmem:$0x1E660] =	vst v63  }
0x6f: {  	_ =	swait.ge [sflag:s26], $0x2000  }
0x70: {  	[sflag:s26] =	ssyncset.done $0x0  }
0x71: {  	[sflag:s26] =	ssyncadd.s32 $0xFFFFE000  }
0x72: {  	_ =	swait.ge [sflag:s29], $0x1E80  }
0x73: {  	[sflag:s29] =	ssyncset.done $0x0  }
0x74: {  	[sflag:s29] =	ssyncadd.s32 $0xFFFFE180  }
0x75: {  	_ =	swait.ge [sflag:s30], $0x7D0  }
0x76: {  	p6 =	seq.s32 s20, $0x4E0;
	[sflag:s30] =	ssyncset.done $0x0  }
0x77: {  	s9 =	sadd.s32 @!p6 s20, s19;
	s10 =	simm.s32 @!p6 $0x0;
	[sflag:s30] =	ssyncadd.s32 $0xFFFFF830  }
0x78: {  	[tilespmem:s10], [sflag:$0x1] =	stream.linear.gather @!p6 [hbm4b:s9+s10], $0x80, $0x38;
	[tilespmem:$0x1E660] =	vst v63  }
0x79: {  	s4 =	simm.s32 @!p6 $0x80;
	s9 =	sadd.s32 @!p6 s20, s18  }
0x7a: {  	[tilespmem:s4], [sflag:$0x1] =	stream.linear.gather @!p6 [hbm4b:s9+s10], $0x80, $0x38;
	[tilespmem:$0x1E660] =	vst v63  }
0x7b: {  	_ =	swait.ge [sflag:s7], $0x1800  }
0x7c: {  	[sflag:s7] =	ssyncset.done $0x0  }
0x7d: {  	[sflag:s7] =	ssyncadd.s32 $0xFFFFE800  }
0x7e: {  	_ =	swait.ge [sflag:s8], $0x1800  }
0x7f: {  	[sflag:s8] =	ssyncset.done $0x0  }
0x80: {  	[sflag:s8] =	ssyncadd.s32 $0xFFFFE800  }
0x81: {  	_ =	swait.ge [sflag:s7], $0xE80  }
0x82: {  	[sflag:s7] =	ssyncset.done $0x0  }
0x83: {  	[sflag:s7] =	ssyncadd.s32 $0xFFFFF180  }
0x84: {  	[spmem:s3] =	stream.indirect.scatter.add.f32 [tilespmem:s6], [sflag:$0x7], $0x80, s1, s13, $0xb8;
	[tilespmem:$0x1E660] =	vst v63  }
0x85: {  	s9 =	simm.s32 $0x1C0;
	s10 =	simm.s32 $0x6080  }
0x86: {  	[spmem:s3] =	stream.indirect.scatter.add.f32 [tilespmem:s10], [sflag:$0x8], $0x80, s9, s14, $0xb8;
	[tilespmem:$0x1E660] =	vst v63  }
0x87: {  	_ = 	snop  }
0x88: {  	[spmem:s16] =	stream.indirect.scatter.add.f32 [tilespmem:s21], [sflag:$0x9], $0x10, s1, s22, $0xb8;
	[tilespmem:$0x1E660] =	vst v63  }
0x89: {  	_ =	swait.ge [sflag:s26], $0x2000  }
0x8a: {  	[sflag:s26] =	ssyncset.done $0x0  }
0x8b: {  	[sflag:s26] =	ssyncadd.s32 $0xFFFFE000  }
0x8c: {  	_ =	swait.ge [sflag:s29], $0x1E80  }
.Ltmp2:
0x8d: {  	[sflag:s29] =	ssyncset.done $0x0;
	(pc) =	sbr.rel @p6 .LBB2_4-.Ltmp2, $4  }
0x8e: {  	[sflag:s29] =	ssyncadd.s32 $0xFFFFE180  }
0x8f: {  	_ =	swait.ge [sflag:s30], $0x7D0  }
0x90: {  	[sflag:s30] =	ssyncset.done $0x0  }
0x91: {  	[sflag:s30] =	ssyncadd.s32 $0xFFFFF830  }
0x92: {  	_ =	swait.ge [sflag:s15], $0x80  }
0x93: {  	[sflag:s15] =	ssyncset.done $0x0  }
0x94: {  	[sflag:s15] =	ssyncadd.s32 $0xFFFFFF80  }
0x95: {  	_ =	swait.ge [sflag:s15], $0x80  }
0x96: {  	[sflag:s15] =	ssyncset.done $0x0  }
0x97: {  	[sflag:s15] =	ssyncadd.s32 $0xFFFFFF80  }
0x98: {  	[tilespmem:s25], [sflag:$0x3] =	stream.indirect.gather [hbm4b:s0+s24], $0x80, s5, s24, $0xb8;
	[tilespmem:$0x1E660] =	vst v63  }
0x99: {  	s4 =	simm.s32 $0x1A00  }
0x9a: {  	[tilespmem:s4], [sflag:$0x4] =	stream.indirect.gather [hbm4b:s0+s24], $0x80, s24, s24, $0xb8;
	[tilespmem:$0x1E660] =	vst v63  }
0x9b: {  	s16 =	simm.s32 $0x60;
	s9 =	simm.s32 $0x3200  }
0x9c: {  	[tilespmem:s9], [sflag:$0x3] =	stream.indirect.gather [hbm4b:s0+s28], $0x80, s16, s28, $0xb8;
	[tilespmem:$0x1E660] =	vst v63  }
.Ltmp3:
0x9d: {  	_ = 	snop;
	(pc) =	sbr.rel .LBB2_2-.Ltmp3, $4  }
0x9e: {  	s10 =	sadd.s32 s20, s17;
	s16 =	rddreg [dreg:$0xf]  }
0x9f: {  	[tilespmem:s31], [sflag:$0x2] =	stream.linear.gather [hbm4b:s10+s5], $0x80, $0x38;
	[tilespmem:$0x1E660] =	vst v63  }
0xa0: {  	s4 =	sadd.s32 s20, s16;
	s20 =	sadd.s32 $0x20, s20  }
0xa1: {  	[tilespmem:s1], [sflag:$0x2] =	stream.linear.gather [hbm4b:s4+s5], $0x80, $0x38;
	[tilespmem:$0x1E660] =	vst v63  }
.LBB2_5:
0xa2: {  	_ =	sfence.sel $0x180000  }
0xa3: {  	[bflag:$0x0] =	sbarrier.arrive $0xFFFF  }
0xa4: {  	_ =	strace $0x90000047  }
0xa5: {  	[bflag:$0x2] =	sbarrier.arrive $0xFFFF  }
0xa6: {  	s0 =	rddreg [dreg:$0x5]  }
0xa7: {  	s0 =	sadd.s32 @!p3 $0x100000, s0  }
0xa8: {  	[sflag:s0] =	ssyncadd.tile.s32 @!p3 $0x1;
	_ =	shalt  }
.Lfunc_end2:
_tile_overlayer_lowered:
.L_overlay_start_2:
0xa9: {  	(tag) =	ssettag $0x2  }
0xaa: {  	s0 =	rddreg [dreg:$0x0];
	s2 =	stileid.u32  }
0xab: {  	s1 =	rddreg [dreg:$0x1];
	p0 =	sne.s32 s2, $0x0  }
0xac: {  	s3 =	rddreg [dreg:$0x2];
	[bflag:$0x3] =	sbarrier.arrive $0xFFFF;
	s2 =	simm.s32 @!p0 $0x1C0A  }
0xad: {  	[timem:s3], [sflag:s2] =	dma.local @!p0 [hbm:s0], s1  }
0xae: {  	s0 =	simm.s32 @!p0 $0xA  }
0xaf: {  	_ =	swait.ge @!p0 [sflag:s0], s1  }
0xb0: {  	s1 =	ssub.s32 @!p0 $0x0, s1;
	[sflag:s0] =	ssyncset.done @!p0 $0x0  }
0xb1: {  	[sflag:s0] =	ssyncadd.s32 @!p0 s1  }
0xb2: {  	[bflag:$0x3] =	sbarrier.arrive $0xFFFF  }
0xb3: {  	_ =	shalt  }

</sc_bundles>
